<compile_context>
chip_gen: v7x
topology: tpu7x:2x2x1
jax: 0.10.2.dev20260603
libtpu: 0.0.44.dev20260713+nightly
codegen_flags: <defaults>
</compile_context>

<pallas_src>
import functools

import jax
import jax.numpy as jnp
from jax import lax
from jax.experimental import pallas as pl
from jax.experimental.pallas import tpu as pltpu
from jax.experimental.pallas import tpu_sc as plsc

_ALPHA = 0.25
_LOSS_WEIGHT = 1.0

_NC = 2
_NS = 16
_NW = _NC * _NS
_LANES = 16
_UNROLL = 4

_SC_FRAC_NUM = 1
_SC_FRAC_DEN = 4
_TC_COLS = 1024
_TC_BLOCK_ROWS = 256


def _focal_vec(p, tgt):
    t = tgt == 0
    nonneg = p >= 0
    ap = jnp.abs(p)
    e = jnp.exp(-ap)
    r = 1.0 / (1.0 + e)
    er = e * r
    z = e / (e + 2.0)
    w = z * z
    poly = 1.0 + w * (1.0 / 3.0 + w * (1.0 / 5.0 + w * (1.0 / 7.0 + w * (1.0 / 9.0))))
    l1p = 2.0 * z * poly
    q = jnp.where(t, -p, p)
    bce = jnp.maximum(q, 0.0) + l1p
    s = jnp.where(nonneg, r, er)
    pt = jnp.where(t, 1.0 - s, s)
    af = jnp.where(t, _ALPHA, 1.0 - _ALPHA)
    return bce * af * pt * pt


def _sc_partial_sums(predf, target, sc_n):
    per_w = sc_n // _NW
    vecs = per_w // (_UNROLL * _LANES)
    mesh = plsc.VectorSubcoreMesh(core_axis_name="c", subcore_axis_name="s")

    @functools.partial(
        pl.kernel,
        mesh=mesh,
        out_type=jax.ShapeDtypeStruct((_NW, _LANES), jnp.float32),
        scratch_types=[
            pltpu.VMEM((per_w,), jnp.float32),
            pltpu.VMEM((per_w,), jnp.int32),
            pltpu.VMEM((_LANES,), jnp.float32),
            pltpu.SemaphoreType.DMA,
            pltpu.SemaphoreType.DMA,
        ],
    )
    def sc_loss(pred_hbm, tgt_hbm, out_hbm, pred_v, tgt_v, acc_v, sem_p, sem_t):
        wid = lax.axis_index("s") * _NC + lax.axis_index("c")
        base = wid * per_w
        cp = pltpu.async_copy(pred_hbm.at[pl.ds(base, per_w)], pred_v, sem_p)
        ct = pltpu.async_copy(tgt_hbm.at[pl.ds(base, per_w)], tgt_v, sem_t)
        cp.wait()
        ct.wait()

        zero = jnp.zeros((_LANES,), jnp.float32)

        def body(i, accs):
            b = i * (_UNROLL * _LANES)
            out = []
            for k in range(_UNROLL):
                p = pred_v[pl.ds(b + k * _LANES, _LANES)]
                tg = tgt_v[pl.ds(b + k * _LANES, _LANES)]
                out.append(accs[k] + _focal_vec(p, tg))
            return tuple(out)

        accs = lax.fori_loop(0, vecs, body, (zero,) * _UNROLL)
        acc_v[...] = sum(accs[1:], accs[0])
        pltpu.sync_copy(acc_v, out_hbm.at[wid])

    return sc_loss(predf, target)


def _tc_block(pred_ref, tgt_ref, out_ref):
    p = pred_ref[...]
    t = (tgt_ref[...] == 0).astype(jnp.float32)
    s = jax.nn.sigmoid(p)
    pt = (1.0 - s) * t + s * (1.0 - t)
    fw = (_ALPHA * t + (1.0 - _ALPHA) * (1.0 - t)) * pt * pt
    bce = jnp.maximum(p, 0.0) - p * t + jnp.log1p(jnp.exp(-jnp.abs(p)))
    part = jnp.sum(bce * fw)

    @pl.when(pl.program_id(0) == 0)
    def _():
        out_ref[0, 0] = 0.0

    out_ref[0, 0] += part


def _tc_partial_sum(predf, target, sc_n):
    n = predf.shape[0]
    blk = _TC_BLOCK_ROWS * _TC_COLS
    grid = (n - sc_n) // blk
    first = sc_n // blk
    return pl.pallas_call(
        _tc_block,
        grid=(grid,),
        in_specs=[
            pl.BlockSpec((blk,), lambda i: (first + i,)),
            pl.BlockSpec((blk,), lambda i: (first + i,)),
        ],
        out_specs=pl.BlockSpec(memory_space=pltpu.SMEM),
        out_shape=jax.ShapeDtypeStruct((1, 1), jnp.float32),
        compiler_params=pltpu.CompilerParams(
            dimension_semantics=("arbitrary",),
        ),
    )(predf, target)


def kernel(pred, target):
    n = pred.shape[0]
    predf = pred.reshape(n)
    blk = _TC_BLOCK_ROWS * _TC_COLS
    sc_n = (n * _SC_FRAC_NUM // _SC_FRAC_DEN) // blk * blk

    tc_partial = _tc_partial_sum(predf, target, sc_n)
    sc_partials = _sc_partial_sums(predf, target, sc_n)
    total = jnp.sum(sc_partials) + tc_partial[0, 0]
    return _LOSS_WEIGHT * (total / n)

# --- scband reference (transcript-rebuilt; emitter-appended) ---
"""Pipeline reference for scband-prob-truncated-focal-loss-74406013436314 (READ-ONLY COPY).

The authoritative reference and input builder live on the scoring server;
editing this copy changes nothing except your own understanding.
"""

import jax, jax.numpy as jnp
import numpy as np

N = 1048576
C = 1
GAMMA = 2.0
ALPHA = 0.25
LOSS_WEIGHT = 1.0


def setup_inputs(seed: int = 0) -> dict:
    key = jax.random.key(seed)
    k1, k2 = jax.random.split(key)
    pred = jax.random.normal(k1, (N, C), dtype=jnp.float32)
    # labels in [0, num_classes]; num_classes == C is the background index
    target = jax.random.randint(k2, (N,), 0, 2, dtype=jnp.int32)
    return {"pred": pred, "target": target}


def _bce_with_logits(p, t):
    # numerically stable binary_cross_entropy_with_logits, reduction='none'
    return jnp.maximum(p, 0) - p * t + jnp.log1p(jnp.exp(-jnp.abs(p)))


def reference(pred, target):
    num_classes = pred.shape[1]
    bg_class_ind = num_classes
    target_in = target

    # one-hot with an extra background column, then drop it (mmdet convention)
    target_oh = jax.nn.one_hot(target, num_classes + 1, dtype=pred.dtype)[:, :num_classes]

    # target is always in [0, bg_class_ind], so valid_inds is the stable
    # partition of all indices: pos (target < bg_class_ind) first, then
    # neg (target == bg_class_ind). A stable argsort on target produces
    # exactly this ordering with a static shape.
    valid_inds = jnp.argsort(target_in, stable=True)

    p = jnp.take(pred, valid_inds, axis=0)
    t = jnp.take(target_oh, valid_inds, axis=0)

    # py_sigmoid_focal_loss
    pred_sigmoid = jax.nn.sigmoid(p)
    pt = (1 - pred_sigmoid) * t + pred_sigmoid * (1 - t)
    focal_weight = (ALPHA * t + (1 - ALPHA) * (1 - t)) * jnp.power(pt, GAMMA)
    loss = _bce_with_logits(p, t) * focal_weight
    # weight is None, avg_factor is None, reduction='mean'
    loss_cls = LOSS_WEIGHT * jnp.mean(loss)
    return loss_cls

if __name__ == "__main__":
    import jax
    _d = setup_inputs()
    print(jax.jit(kernel)(*tuple(_d.values())))

</pallas_src>

<mosaic_0001>
#map = affine_map<(d0, d1) -> (0)>
#map1 = affine_map<(d0, d1) -> (0, 0)>
module attributes {stable_mosaic.version = 14 : i64} {
  func.func @sc_loss(%arg0: i32, %arg1: i32, %arg2: memref<1048576xf32, #tpu.memory_space<hbm>>, %arg3: memref<1048576xi32, #tpu.memory_space<hbm>>, %arg4: memref<32x16xf32, #tpu.memory_space<hbm>>, %arg5: memref<8192xf32, #tpu.memory_space<vmem>>, %arg6: memref<8192xi32, #tpu.memory_space<vmem>>, %arg7: memref<16xf32, #tpu.memory_space<vmem>>, %arg8: memref<!tpu.dma_semaphore, #tpu.memory_space<semaphore_mem>>, %arg9: memref<!tpu.dma_semaphore, #tpu.memory_space<semaphore_mem>>) attributes {dimension_semantics = [#tpu.dimension_semantics<core_parallel>, #tpu.dimension_semantics<subcore_parallel>], iteration_bounds = array<i64: 2, 16>, scalar_prefetch = 0 : i64, scratch_operands = 5 : i64, tpu.core_type = #tpu.core_type<sc_vector_subcore>, window_params = [{transform_indices = #map}, {transform_indices = #map}, {transform_indices = #map1}]} {
    %mul3A = arith.constant 2 : i32
    %mul3A_0 = arith.muli %arg1, %mul3A : i32
    %add3A = arith.addi %mul3A_0, %arg0 : i32
    %mul3A_1 = arith.constant 8192 : i32
    %mul3A_2 = arith.muli %add3A, %mul3A_1 : i32
    %dma_start3A = tpu.memref_slice %arg2[%mul3A_2] : memref<1048576xf32, #tpu.memory_space<hbm>> -> memref<8192xf32, #tpu.memory_space<hbm>>
    %dma_start3A_3 = tpu.memref_slice %arg2[%mul3A_2] : memref<1048576xf32, #tpu.memory_space<hbm>> -> memref<8192xf32, #tpu.memory_space<hbm>>
    tpu.enqueue_dma source(%dma_start3A_3 : memref<8192xf32, #tpu.memory_space<hbm>>) target(%arg5 : memref<8192xf32, #tpu.memory_space<vmem>>) target_semaphore(%arg8 : memref<!tpu.dma_semaphore, #tpu.memory_space<semaphore_mem>>)
    %dma_start3A_4 = tpu.memref_slice %arg3[%mul3A_2] : memref<1048576xi32, #tpu.memory_space<hbm>> -> memref<8192xi32, #tpu.memory_space<hbm>>
    %dma_start3A_5 = tpu.memref_slice %arg3[%mul3A_2] : memref<1048576xi32, #tpu.memory_space<hbm>> -> memref<8192xi32, #tpu.memory_space<hbm>>
    tpu.enqueue_dma source(%dma_start3A_5 : memref<8192xi32, #tpu.memory_space<hbm>>) target(%arg6 : memref<8192xi32, #tpu.memory_space<vmem>>) target_semaphore(%arg9 : memref<!tpu.dma_semaphore, #tpu.memory_space<semaphore_mem>>)
    %dma_wait3A = tpu.memref_slice %arg2[%mul3A_2] : memref<1048576xf32, #tpu.memory_space<hbm>> -> memref<8192xf32, #tpu.memory_space<hbm>>
    %dma_wait3A_6 = tpu.memref_slice %arg2[%mul3A_2] : memref<1048576xf32, #tpu.memory_space<hbm>> -> memref<8192xf32, #tpu.memory_space<hbm>>
    tpu.wait_dma2 semaphore(%arg8 : memref<!tpu.dma_semaphore, #tpu.memory_space<semaphore_mem>>) src(%dma_wait3A_6 : memref<8192xf32, #tpu.memory_space<hbm>>) dst(%arg5 : memref<8192xf32, #tpu.memory_space<vmem>>)
    %dma_wait3A_7 = tpu.memref_slice %arg3[%mul3A_2] : memref<1048576xi32, #tpu.memory_space<hbm>> -> memref<8192xi32, #tpu.memory_space<hbm>>
    %dma_wait3A_8 = tpu.memref_slice %arg3[%mul3A_2] : memref<1048576xi32, #tpu.memory_space<hbm>> -> memref<8192xi32, #tpu.memory_space<hbm>>
    tpu.wait_dma2 semaphore(%arg9 : memref<!tpu.dma_semaphore, #tpu.memory_space<semaphore_mem>>) src(%dma_wait3A_8 : memref<8192xi32, #tpu.memory_space<hbm>>) dst(%arg6 : memref<8192xi32, #tpu.memory_space<vmem>>)
    %broadcast_in_dim3A = arith.constant 0.000000e+00 : f32
    %broadcast_in_dim3A_9 = vector.broadcast %broadcast_in_dim3A : f32 to vector<16xf32>
    %scan3A = arith.constant 0 : i32
    %scan3A_10 = arith.constant 128 : i32
    %scan3A_11 = arith.addi %scan3A, %scan3A_10 : i32
    %scan3A_12 = arith.constant 1 : i32
    %scan3A_13:4 = scf.for %scan3A_21 = %scan3A to %scan3A_11 step %scan3A_12 iter_args(%scan3A_22 = %broadcast_in_dim3A_9, %scan3A_23 = %broadcast_in_dim3A_9, %scan3A_24 = %broadcast_in_dim3A_9, %scan3A_25 = %broadcast_in_dim3A_9) -> (vector<16xf32>, vector<16xf32>, vector<16xf32>, vector<16xf32>)  : i32 {
      %mul3A_26 = arith.constant 64 : i32
      %mul3A_27 = arith.muli %scan3A_21, %mul3A_26 : i32
      %add3A_28 = arith.constant 0 : i32
      %add3A_29 = arith.addi %mul3A_27, %add3A_28 : i32
      %get3A = arith.index_cast %add3A_29 : i32 to index
      %get3A_30 = tpu.vector_load %arg5[%get3A] {strides = array<i32>} : memref<8192xf32, #tpu.memory_space<vmem>>, vector<16xf32>,
      %get3A_31 = vector.shape_cast %get3A_30 : vector<16xf32> to vector<16xf32>
      %add3A_32 = arith.constant 0 : i32
      %add3A_33 = arith.addi %mul3A_27, %add3A_32 : i32
      %get3A_34 = arith.index_cast %add3A_33 : i32 to index
      %get3A_35 = tpu.vector_load %arg6[%get3A_34] {strides = array<i32>} : memref<8192xi32, #tpu.memory_space<vmem>>, vector<16xi32>,
      %get3A_36 = vector.shape_cast %get3A_35 : vector<16xi32> to vector<16xi32>
      %eq3A = arith.constant 0 : i32
      %eq3A_37 = vector.broadcast %eq3A : i32 to vector<16xi32>
      %eq3A_38 = arith.cmpi eq, %get3A_36, %eq3A_37 : vector<16xi32>
      %ge3A = arith.constant 0.000000e+00 : f32
      %ge3A_39 = vector.broadcast %ge3A : f32 to vector<16xf32>
      %ge3A_40 = arith.cmpf oge, %get3A_31, %ge3A_39 : vector<16xf32>
      %abs3A = math.absf %get3A_31 : vector<16xf32>
      %neg3A = arith.constant 0.000000e+00 : f32
      %neg3A_41 = vector.broadcast %neg3A : f32 to vector<16xf32>
      %neg3A_42 = arith.subf %neg3A_41, %abs3A : vector<16xf32>
      %exp3A = math.exp %neg3A_42 : vector<16xf32>
      %add3A_43 = arith.constant 1.000000e+00 : f32
      %add3A_44 = vector.broadcast %add3A_43 : f32 to vector<16xf32>
      %add3A_45 = arith.addf %add3A_44, %exp3A : vector<16xf32>
      %div3A = arith.constant 1.000000e+00 : f32
      %div3A_46 = vector.broadcast %div3A : f32 to vector<16xf32>
      %div3A_47 = arith.divf %div3A_46, %add3A_45 : vector<16xf32>
      %mul3A_48 = arith.mulf %exp3A, %div3A_47 : vector<16xf32>
      %add3A_49 = arith.constant 2.000000e+00 : f32
      %add3A_50 = vector.broadcast %add3A_49 : f32 to vector<16xf32>
      %add3A_51 = arith.addf %exp3A, %add3A_50 : vector<16xf32>
      %div3A_52 = arith.divf %exp3A, %add3A_51 : vector<16xf32>
      %mul3A_53 = arith.mulf %div3A_52, %div3A_52 : vector<16xf32>
      %mul3A_54 = arith.constant 0.111111112 : f32
      %mul3A_55 = vector.broadcast %mul3A_54 : f32 to vector<16xf32>
      %mul3A_56 = arith.mulf %mul3A_53, %mul3A_55 : vector<16xf32>
      %add3A_57 = arith.constant 0.142857149 : f32
      %add3A_58 = vector.broadcast %add3A_57 : f32 to vector<16xf32>
      %add3A_59 = arith.addf %add3A_58, %mul3A_56 : vector<16xf32>
      %mul3A_60 = arith.mulf %mul3A_53, %add3A_59 : vector<16xf32>
      %add3A_61 = arith.constant 2.000000e-01 : f32
      %add3A_62 = vector.broadcast %add3A_61 : f32 to vector<16xf32>
      %add3A_63 = arith.addf %add3A_62, %mul3A_60 : vector<16xf32>
      %mul3A_64 = arith.mulf %mul3A_53, %add3A_63 : vector<16xf32>
      %add3A_65 = arith.constant 0.333333343 : f32
      %add3A_66 = vector.broadcast %add3A_65 : f32 to vector<16xf32>
      %add3A_67 = arith.addf %add3A_66, %mul3A_64 : vector<16xf32>
      %mul3A_68 = arith.mulf %mul3A_53, %add3A_67 : vector<16xf32>
      %add3A_69 = arith.constant 1.000000e+00 : f32
      %add3A_70 = vector.broadcast %add3A_69 : f32 to vector<16xf32>
      %add3A_71 = arith.addf %add3A_70, %mul3A_68 : vector<16xf32>
      %mul3A_72 = arith.constant 2.000000e+00 : f32
      %mul3A_73 = vector.broadcast %mul3A_72 : f32 to vector<16xf32>
      %mul3A_74 = arith.mulf %mul3A_73, %div3A_52 : vector<16xf32>
      %mul3A_75 = arith.mulf %mul3A_74, %add3A_71 : vector<16xf32>
      %neg3A_76 = arith.constant 0.000000e+00 : f32
      %neg3A_77 = vector.broadcast %neg3A_76 : f32 to vector<16xf32>
      %neg3A_78 = arith.subf %neg3A_77, %get3A_31 : vector<16xf32>
      %select_n3A = arith.select %eq3A_38, %neg3A_78, %get3A_31 : vector<16xi1>, vector<16xf32>
      %max3A = arith.constant 0.000000e+00 : f32
      %max3A_79 = vector.broadcast %max3A : f32 to vector<16xf32>
      %max3A_80 = arith.maximumf %select_n3A, %max3A_79 : vector<16xf32>
      %add3A_81 = arith.addf %max3A_80, %mul3A_75 : vector<16xf32>
      %select_n3A_82 = arith.select %ge3A_40, %div3A_47, %mul3A_48 : vector<16xi1>, vector<16xf32>
      %sub3A = arith.constant 1.000000e+00 : f32
      %sub3A_83 = vector.broadcast %sub3A : f32 to vector<16xf32>
      %sub3A_84 = arith.subf %sub3A_83, %select_n3A_82 : vector<16xf32>
      %select_n3A_85 = arith.select %eq3A_38, %sub3A_84, %select_n3A_82 : vector<16xi1>, vector<16xf32>
      %jit3A = arith.constant 2.500000e-01 : f32
      %jit3A_86 = arith.constant 7.500000e-01 : f32
      %broadcast_in_dim3A_87 = vector.broadcast %jit3A : f32 to vector<16xf32>
      %broadcast_in_dim3A_88 = vector.broadcast %jit3A_86 : f32 to vector<16xf32>
      %select_n3A_89 = arith.select %eq3A_38, %broadcast_in_dim3A_87, %broadcast_in_dim3A_88 : vector<16xi1>, vector<16xf32>
      %mul3A_90 = arith.mulf %add3A_81, %select_n3A_89 : vector<16xf32>
      %mul3A_91 = arith.mulf %mul3A_90, %select_n3A_85 : vector<16xf32>
      %mul3A_92 = arith.mulf %mul3A_91, %select_n3A_85 : vector<16xf32>
      %add3A_93 = arith.addf %scan3A_22, %mul3A_92 : vector<16xf32>
      %add3A_94 = arith.constant 16 : i32
      %add3A_95 = arith.addi %mul3A_27, %add3A_94 : i32
      %get3A_96 = arith.index_cast %add3A_95 : i32 to index
      %get3A_97 = tpu.vector_load %arg5[%get3A_96] {strides = array<i32>} : memref<8192xf32, #tpu.memory_space<vmem>>, vector<16xf32>,
      %get3A_98 = vector.shape_cast %get3A_97 : vector<16xf32> to vector<16xf32>
      %add3A_99 = arith.constant 16 : i32
      %add3A_100 = arith.addi %mul3A_27, %add3A_99 : i32
      %get3A_101 = arith.index_cast %add3A_100 : i32 to index
      %get3A_102 = tpu.vector_load %arg6[%get3A_101] {strides = array<i32>} : memref<8192xi32, #tpu.memory_space<vmem>>, vector<16xi32>,
      %get3A_103 = vector.shape_cast %get3A_102 : vector<16xi32> to vector<16xi32>
      %eq3A_104 = arith.constant 0 : i32
      %eq3A_105 = vector.broadcast %eq3A_104 : i32 to vector<16xi32>
      %eq3A_106 = arith.cmpi eq, %get3A_103, %eq3A_105 : vector<16xi32>
      %ge3A_107 = arith.constant 0.000000e+00 : f32
      %ge3A_108 = vector.broadcast %ge3A_107 : f32 to vector<16xf32>
      %ge3A_109 = arith.cmpf oge, %get3A_98, %ge3A_108 : vector<16xf32>
      %abs3A_110 = math.absf %get3A_98 : vector<16xf32>
      %neg3A_111 = arith.constant 0.000000e+00 : f32
      %neg3A_112 = vector.broadcast %neg3A_111 : f32 to vector<16xf32>
      %neg3A_113 = arith.subf %neg3A_112, %abs3A_110 : vector<16xf32>
      %exp3A_114 = math.exp %neg3A_113 : vector<16xf32>
      %add3A_115 = arith.constant 1.000000e+00 : f32
      %add3A_116 = vector.broadcast %add3A_115 : f32 to vector<16xf32>
      %add3A_117 = arith.addf %add3A_116, %exp3A_114 : vector<16xf32>
      %div3A_118 = arith.constant 1.000000e+00 : f32
      %div3A_119 = vector.broadcast %div3A_118 : f32 to vector<16xf32>
      %div3A_120 = arith.divf %div3A_119, %add3A_117 : vector<16xf32>
      %mul3A_121 = arith.mulf %exp3A_114, %div3A_120 : vector<16xf32>
      %add3A_122 = arith.constant 2.000000e+00 : f32
      %add3A_123 = vector.broadcast %add3A_122 : f32 to vector<16xf32>
      %add3A_124 = arith.addf %exp3A_114, %add3A_123 : vector<16xf32>
      %div3A_125 = arith.divf %exp3A_114, %add3A_124 : vector<16xf32>
      %mul3A_126 = arith.mulf %div3A_125, %div3A_125 : vector<16xf32>
      %mul3A_127 = arith.constant 0.111111112 : f32
      %mul3A_128 = vector.broadcast %mul3A_127 : f32 to vector<16xf32>
      %mul3A_129 = arith.mulf %mul3A_126, %mul3A_128 : vector<16xf32>
      %add3A_130 = arith.constant 0.142857149 : f32
      %add3A_131 = vector.broadcast %add3A_130 : f32 to vector<16xf32>
      %add3A_132 = arith.addf %add3A_131, %mul3A_129 : vector<16xf32>
      %mul3A_133 = arith.mulf %mul3A_126, %add3A_132 : vector<16xf32>
      %add3A_134 = arith.constant 2.000000e-01 : f32
      %add3A_135 = vector.broadcast %add3A_134 : f32 to vector<16xf32>
      %add3A_136 = arith.addf %add3A_135, %mul3A_133 : vector<16xf32>
      %mul3A_137 = arith.mulf %mul3A_126, %add3A_136 : vector<16xf32>
      %add3A_138 = arith.constant 0.333333343 : f32
      %add3A_139 = vector.broadcast %add3A_138 : f32 to vector<16xf32>
      %add3A_140 = arith.addf %add3A_139, %mul3A_137 : vector<16xf32>
      %mul3A_141 = arith.mulf %mul3A_126, %add3A_140 : vector<16xf32>
      %add3A_142 = arith.constant 1.000000e+00 : f32
      %add3A_143 = vector.broadcast %add3A_142 : f32 to vector<16xf32>
      %add3A_144 = arith.addf %add3A_143, %mul3A_141 : vector<16xf32>
      %mul3A_145 = arith.constant 2.000000e+00 : f32
      %mul3A_146 = vector.broadcast %mul3A_145 : f32 to vector<16xf32>
      %mul3A_147 = arith.mulf %mul3A_146, %div3A_125 : vector<16xf32>
      %mul3A_148 = arith.mulf %mul3A_147, %add3A_144 : vector<16xf32>
      %neg3A_149 = arith.constant 0.000000e+00 : f32
      %neg3A_150 = vector.broadcast %neg3A_149 : f32 to vector<16xf32>
      %neg3A_151 = arith.subf %neg3A_150, %get3A_98 : vector<16xf32>
      %select_n3A_152 = arith.select %eq3A_106, %neg3A_151, %get3A_98 : vector<16xi1>, vector<16xf32>
      %max3A_153 = arith.constant 0.000000e+00 : f32
      %max3A_154 = vector.broadcast %max3A_153 : f32 to vector<16xf32>
      %max3A_155 = arith.maximumf %select_n3A_152, %max3A_154 : vector<16xf32>
      %add3A_156 = arith.addf %max3A_155, %mul3A_148 : vector<16xf32>
      %select_n3A_157 = arith.select %ge3A_109, %div3A_120, %mul3A_121 : vector<16xi1>, vector<16xf32>
      %sub3A_158 = arith.constant 1.000000e+00 : f32
      %sub3A_159 = vector.broadcast %sub3A_158 : f32 to vector<16xf32>
      %sub3A_160 = arith.subf %sub3A_159, %select_n3A_157 : vector<16xf32>
      %select_n3A_161 = arith.select %eq3A_106, %sub3A_160, %select_n3A_157 : vector<16xi1>, vector<16xf32>
      %jit3A_162 = arith.constant 2.500000e-01 : f32
      %jit3A_163 = arith.constant 7.500000e-01 : f32
      %broadcast_in_dim3A_164 = vector.broadcast %jit3A_162 : f32 to vector<16xf32>
      %broadcast_in_dim3A_165 = vector.broadcast %jit3A_163 : f32 to vector<16xf32>
      %select_n3A_166 = arith.select %eq3A_106, %broadcast_in_dim3A_164, %broadcast_in_dim3A_165 : vector<16xi1>, vector<16xf32>
      %mul3A_167 = arith.mulf %add3A_156, %select_n3A_166 : vector<16xf32>
      %mul3A_168 = arith.mulf %mul3A_167, %select_n3A_161 : vector<16xf32>
      %mul3A_169 = arith.mulf %mul3A_168, %select_n3A_161 : vector<16xf32>
      %add3A_170 = arith.addf %scan3A_23, %mul3A_169 : vector<16xf32>
      %add3A_171 = arith.constant 32 : i32
      %add3A_172 = arith.addi %mul3A_27, %add3A_171 : i32
      %get3A_173 = arith.index_cast %add3A_172 : i32 to index
      %get3A_174 = tpu.vector_load %arg5[%get3A_173] {strides = array<i32>} : memref<8192xf32, #tpu.memory_space<vmem>>, vector<16xf32>,
      %get3A_175 = vector.shape_cast %get3A_174 : vector<16xf32> to vector<16xf32>
      %add3A_176 = arith.constant 32 : i32
      %add3A_177 = arith.addi %mul3A_27, %add3A_176 : i32
      %get3A_178 = arith.index_cast %add3A_177 : i32 to index
      %get3A_179 = tpu.vector_load %arg6[%get3A_178] {strides = array<i32>} : memref<8192xi32, #tpu.memory_space<vmem>>, vector<16xi32>,
      %get3A_180 = vector.shape_cast %get3A_179 : vector<16xi32> to vector<16xi32>
      %eq3A_181 = arith.constant 0 : i32
      %eq3A_182 = vector.broadcast %eq3A_181 : i32 to vector<16xi32>
      %eq3A_183 = arith.cmpi eq, %get3A_180, %eq3A_182 : vector<16xi32>
      %ge3A_184 = arith.constant 0.000000e+00 : f32
      %ge3A_185 = vector.broadcast %ge3A_184 : f32 to vector<16xf32>
      %ge3A_186 = arith.cmpf oge, %get3A_175, %ge3A_185 : vector<16xf32>
      %abs3A_187 = math.absf %get3A_175 : vector<16xf32>
      %neg3A_188 = arith.constant 0.000000e+00 : f32
      %neg3A_189 = vector.broadcast %neg3A_188 : f32 to vector<16xf32>
      %neg3A_190 = arith.subf %neg3A_189, %abs3A_187 : vector<16xf32>
      %exp3A_191 = math.exp %neg3A_190 : vector<16xf32>
      %add3A_192 = arith.constant 1.000000e+00 : f32
      %add3A_193 = vector.broadcast %add3A_192 : f32 to vector<16xf32>
      %add3A_194 = arith.addf %add3A_193, %exp3A_191 : vector<16xf32>
      %div3A_195 = arith.constant 1.000000e+00 : f32
      %div3A_196 = vector.broadcast %div3A_195 : f32 to vector<16xf32>
      %div3A_197 = arith.divf %div3A_196, %add3A_194 : vector<16xf32>
      %mul3A_198 = arith.mulf %exp3A_191, %div3A_197 : vector<16xf32>
      %add3A_199 = arith.constant 2.000000e+00 : f32
      %add3A_200 = vector.broadcast %add3A_199 : f32 to vector<16xf32>
      %add3A_201 = arith.addf %exp3A_191, %add3A_200 : vector<16xf32>
      %div3A_202 = arith.divf %exp3A_191, %add3A_201 : vector<16xf32>
      %mul3A_203 = arith.mulf %div3A_202, %div3A_202 : vector<16xf32>
      %mul3A_204 = arith.constant 0.111111112 : f32
      %mul3A_205 = vector.broadcast %mul3A_204 : f32 to vector<16xf32>
      %mul3A_206 = arith.mulf %mul3A_203, %mul3A_205 : vector<16xf32>
      %add3A_207 = arith.constant 0.142857149 : f32
      %add3A_208 = vector.broadcast %add3A_207 : f32 to vector<16xf32>
      %add3A_209 = arith.addf %add3A_208, %mul3A_206 : vector<16xf32>
      %mul3A_210 = arith.mulf %mul3A_203, %add3A_209 : vector<16xf32>
      %add3A_211 = arith.constant 2.000000e-01 : f32
      %add3A_212 = vector.broadcast %add3A_211 : f32 to vector<16xf32>
      %add3A_213 = arith.addf %add3A_212, %mul3A_210 : vector<16xf32>
      %mul3A_214 = arith.mulf %mul3A_203, %add3A_213 : vector<16xf32>
      %add3A_215 = arith.constant 0.333333343 : f32
      %add3A_216 = vector.broadcast %add3A_215 : f32 to vector<16xf32>
      %add3A_217 = arith.addf %add3A_216, %mul3A_214 : vector<16xf32>
      %mul3A_218 = arith.mulf %mul3A_203, %add3A_217 : vector<16xf32>
      %add3A_219 = arith.constant 1.000000e+00 : f32
      %add3A_220 = vector.broadcast %add3A_219 : f32 to vector<16xf32>
      %add3A_221 = arith.addf %add3A_220, %mul3A_218 : vector<16xf32>
      %mul3A_222 = arith.constant 2.000000e+00 : f32
      %mul3A_223 = vector.broadcast %mul3A_222 : f32 to vector<16xf32>
      %mul3A_224 = arith.mulf %mul3A_223, %div3A_202 : vector<16xf32>
      %mul3A_225 = arith.mulf %mul3A_224, %add3A_221 : vector<16xf32>
      %neg3A_226 = arith.constant 0.000000e+00 : f32
      %neg3A_227 = vector.broadcast %neg3A_226 : f32 to vector<16xf32>
      %neg3A_228 = arith.subf %neg3A_227, %get3A_175 : vector<16xf32>
      %select_n3A_229 = arith.select %eq3A_183, %neg3A_228, %get3A_175 : vector<16xi1>, vector<16xf32>
      %max3A_230 = arith.constant 0.000000e+00 : f32
      %max3A_231 = vector.broadcast %max3A_230 : f32 to vector<16xf32>
      %max3A_232 = arith.maximumf %select_n3A_229, %max3A_231 : vector<16xf32>
      %add3A_233 = arith.addf %max3A_232, %mul3A_225 : vector<16xf32>
      %select_n3A_234 = arith.select %ge3A_186, %div3A_197, %mul3A_198 : vector<16xi1>, vector<16xf32>
      %sub3A_235 = arith.constant 1.000000e+00 : f32
      %sub3A_236 = vector.broadcast %sub3A_235 : f32 to vector<16xf32>
      %sub3A_237 = arith.subf %sub3A_236, %select_n3A_234 : vector<16xf32>
      %select_n3A_238 = arith.select %eq3A_183, %sub3A_237, %select_n3A_234 : vector<16xi1>, vector<16xf32>
      %jit3A_239 = arith.constant 2.500000e-01 : f32
      %jit3A_240 = arith.constant 7.500000e-01 : f32
      %broadcast_in_dim3A_241 = vector.broadcast %jit3A_239 : f32 to vector<16xf32>
      %broadcast_in_dim3A_242 = vector.broadcast %jit3A_240 : f32 to vector<16xf32>
      %select_n3A_243 = arith.select %eq3A_183, %broadcast_in_dim3A_241, %broadcast_in_dim3A_242 : vector<16xi1>, vector<16xf32>
      %mul3A_244 = arith.mulf %add3A_233, %select_n3A_243 : vector<16xf32>
      %mul3A_245 = arith.mulf %mul3A_244, %select_n3A_238 : vector<16xf32>
      %mul3A_246 = arith.mulf %mul3A_245, %select_n3A_238 : vector<16xf32>
      %add3A_247 = arith.addf %scan3A_24, %mul3A_246 : vector<16xf32>
      %add3A_248 = arith.constant 48 : i32
      %add3A_249 = arith.addi %mul3A_27, %add3A_248 : i32
      %get3A_250 = arith.index_cast %add3A_249 : i32 to index
      %get3A_251 = tpu.vector_load %arg5[%get3A_250] {strides = array<i32>} : memref<8192xf32, #tpu.memory_space<vmem>>, vector<16xf32>,
      %get3A_252 = vector.shape_cast %get3A_251 : vector<16xf32> to vector<16xf32>
      %add3A_253 = arith.constant 48 : i32
      %add3A_254 = arith.addi %mul3A_27, %add3A_253 : i32
      %get3A_255 = arith.index_cast %add3A_254 : i32 to index
      %get3A_256 = tpu.vector_load %arg6[%get3A_255] {strides = array<i32>} : memref<8192xi32, #tpu.memory_space<vmem>>, vector<16xi32>,
      %get3A_257 = vector.shape_cast %get3A_256 : vector<16xi32> to vector<16xi32>
      %eq3A_258 = arith.constant 0 : i32
      %eq3A_259 = vector.broadcast %eq3A_258 : i32 to vector<16xi32>
      %eq3A_260 = arith.cmpi eq, %get3A_257, %eq3A_259 : vector<16xi32>
      %ge3A_261 = arith.constant 0.000000e+00 : f32
      %ge3A_262 = vector.broadcast %ge3A_261 : f32 to vector<16xf32>
      %ge3A_263 = arith.cmpf oge, %get3A_252, %ge3A_262 : vector<16xf32>
      %abs3A_264 = math.absf %get3A_252 : vector<16xf32>
      %neg3A_265 = arith.constant 0.000000e+00 : f32
      %neg3A_266 = vector.broadcast %neg3A_265 : f32 to vector<16xf32>
      %neg3A_267 = arith.subf %neg3A_266, %abs3A_264 : vector<16xf32>
      %exp3A_268 = math.exp %neg3A_267 : vector<16xf32>
      %add3A_269 = arith.constant 1.000000e+00 : f32
      %add3A_270 = vector.broadcast %add3A_269 : f32 to vector<16xf32>
      %add3A_271 = arith.addf %add3A_270, %exp3A_268 : vector<16xf32>
      %div3A_272 = arith.constant 1.000000e+00 : f32
      %div3A_273 = vector.broadcast %div3A_272 : f32 to vector<16xf32>
      %div3A_274 = arith.divf %div3A_273, %add3A_271 : vector<16xf32>
      %mul3A_275 = arith.mulf %exp3A_268, %div3A_274 : vector<16xf32>
      %add3A_276 = arith.constant 2.000000e+00 : f32
      %add3A_277 = vector.broadcast %add3A_276 : f32 to vector<16xf32>
      %add3A_278 = arith.addf %exp3A_268, %add3A_277 : vector<16xf32>
      %div3A_279 = arith.divf %exp3A_268, %add3A_278 : vector<16xf32>
      %mul3A_280 = arith.mulf %div3A_279, %div3A_279 : vector<16xf32>
      %mul3A_281 = arith.constant 0.111111112 : f32
      %mul3A_282 = vector.broadcast %mul3A_281 : f32 to vector<16xf32>
      %mul3A_283 = arith.mulf %mul3A_280, %mul3A_282 : vector<16xf32>
      %add3A_284 = arith.constant 0.142857149 : f32
      %add3A_285 = vector.broadcast %add3A_284 : f32 to vector<16xf32>
      %add3A_286 = arith.addf %add3A_285, %mul3A_283 : vector<16xf32>
      %mul3A_287 = arith.mulf %mul3A_280, %add3A_286 : vector<16xf32>
      %add3A_288 = arith.constant 2.000000e-01 : f32
      %add3A_289 = vector.broadcast %add3A_288 : f32 to vector<16xf32>
      %add3A_290 = arith.addf %add3A_289, %mul3A_287 : vector<16xf32>
      %mul3A_291 = arith.mulf %mul3A_280, %add3A_290 : vector<16xf32>
      %add3A_292 = arith.constant 0.333333343 : f32
      %add3A_293 = vector.broadcast %add3A_292 : f32 to vector<16xf32>
      %add3A_294 = arith.addf %add3A_293, %mul3A_291 : vector<16xf32>
      %mul3A_295 = arith.mulf %mul3A_280, %add3A_294 : vector<16xf32>
      %add3A_296 = arith.constant 1.000000e+00 : f32
      %add3A_297 = vector.broadcast %add3A_296 : f32 to vector<16xf32>
      %add3A_298 = arith.addf %add3A_297, %mul3A_295 : vector<16xf32>
      %mul3A_299 = arith.constant 2.000000e+00 : f32
      %mul3A_300 = vector.broadcast %mul3A_299 : f32 to vector<16xf32>
      %mul3A_301 = arith.mulf %mul3A_300, %div3A_279 : vector<16xf32>
      %mul3A_302 = arith.mulf %mul3A_301, %add3A_298 : vector<16xf32>
      %neg3A_303 = arith.constant 0.000000e+00 : f32
      %neg3A_304 = vector.broadcast %neg3A_303 : f32 to vector<16xf32>
      %neg3A_305 = arith.subf %neg3A_304, %get3A_252 : vector<16xf32>
      %select_n3A_306 = arith.select %eq3A_260, %neg3A_305, %get3A_252 : vector<16xi1>, vector<16xf32>
      %max3A_307 = arith.constant 0.000000e+00 : f32
      %max3A_308 = vector.broadcast %max3A_307 : f32 to vector<16xf32>
      %max3A_309 = arith.maximumf %select_n3A_306, %max3A_308 : vector<16xf32>
      %add3A_310 = arith.addf %max3A_309, %mul3A_302 : vector<16xf32>
      %select_n3A_311 = arith.select %ge3A_263, %div3A_274, %mul3A_275 : vector<16xi1>, vector<16xf32>
      %sub3A_312 = arith.constant 1.000000e+00 : f32
      %sub3A_313 = vector.broadcast %sub3A_312 : f32 to vector<16xf32>
      %sub3A_314 = arith.subf %sub3A_313, %select_n3A_311 : vector<16xf32>
      %select_n3A_315 = arith.select %eq3A_260, %sub3A_314, %select_n3A_311 : vector<16xi1>, vector<16xf32>
      %jit3A_316 = arith.constant 2.500000e-01 : f32
      %jit3A_317 = arith.constant 7.500000e-01 : f32
      %broadcast_in_dim3A_318 = vector.broadcast %jit3A_316 : f32 to vector<16xf32>
      %broadcast_in_dim3A_319 = vector.broadcast %jit3A_317 : f32 to vector<16xf32>
      %select_n3A_320 = arith.select %eq3A_260, %broadcast_in_dim3A_318, %broadcast_in_dim3A_319 : vector<16xi1>, vector<16xf32>
      %mul3A_321 = arith.mulf %add3A_310, %select_n3A_320 : vector<16xf32>
      %mul3A_322 = arith.mulf %mul3A_321, %select_n3A_315 : vector<16xf32>
      %mul3A_323 = arith.mulf %mul3A_322, %select_n3A_315 : vector<16xf32>
      %add3A_324 = arith.addf %scan3A_25, %mul3A_323 : vector<16xf32>
      scf.yield %add3A_93, %add3A_170, %add3A_247, %add3A_324 : vector<16xf32>, vector<16xf32>, vector<16xf32>, vector<16xf32>
    }
    %scan3A_14 = arith.constant 128 : i32
    %add3A_15 = arith.addf %scan3A_13#0, %scan3A_13#1 : vector<16xf32>
    %add3A_16 = arith.addf %add3A_15, %scan3A_13#2 : vector<16xf32>
    %add3A_17 = arith.addf %add3A_16, %scan3A_13#3 : vector<16xf32>
    %swap3A = arith.constant 0 : index
    %swap3A_18 = tpu.vector_load %arg7[%swap3A] {strides = array<i32>} : memref<16xf32, #tpu.memory_space<vmem>>, vector<16xf32>,
    %swap3A_19 = vector.shape_cast %swap3A_18 : vector<16xf32> to vector<16xf32>
    %swap3A_20 = vector.shape_cast %add3A_17 : vector<16xf32> to vector<16xf32>
    tpu.vector_store %arg7[%swap3A], %swap3A_20 {strides = array<i32>} : memref<16xf32, #tpu.memory_space<vmem>>, vector<16xf32>,
    "tpu.region"() ({
      %run_scoped3A = tpu.sem_alloc : memref<!tpu.dma_semaphore, #tpu.memory_space<semaphore_mem>>
      %dma_start3A_21 = arith.constant 0 : i32
      %dma_start3A_22 = tpu.memref_slice %arg4[%add3A, %dma_start3A_21] : memref<32x16xf32, #tpu.memory_space<hbm>> -> memref<1x16xf32, #tpu.memory_space<hbm>>
      %dma_start3A_23 = tpu.memref_squeeze %dma_start3A_22 : memref<1x16xf32, #tpu.memory_space<hbm>> -> memref<16xf32, #tpu.memory_space<hbm>>
      %dma_start3A_24 = arith.constant 0 : i32
      %dma_start3A_25 = tpu.memref_slice %arg4[%add3A, %dma_start3A_24] : memref<32x16xf32, #tpu.memory_space<hbm>> -> memref<1x16xf32, #tpu.memory_space<hbm>>
      %dma_start3A_26 = tpu.memref_squeeze %dma_start3A_25 : memref<1x16xf32, #tpu.memory_space<hbm>> -> memref<16xf32, #tpu.memory_space<hbm>>
      tpu.enqueue_dma source(%arg7 : memref<16xf32, #tpu.memory_space<vmem>>) target(%dma_start3A_26 : memref<16xf32, #tpu.memory_space<hbm>>) target_semaphore(%run_scoped3A : memref<!tpu.dma_semaphore, #tpu.memory_space<semaphore_mem>>)
      %dma_wait3A_27 = arith.constant 0 : i32
      %dma_wait3A_28 = tpu.memref_slice %arg4[%add3A, %dma_wait3A_27] : memref<32x16xf32, #tpu.memory_space<hbm>> -> memref<1x16xf32, #tpu.memory_space<hbm>>
      %dma_wait3A_29 = tpu.memref_squeeze %dma_wait3A_28 : memref<1x16xf32, #tpu.memory_space<hbm>> -> memref<16xf32, #tpu.memory_space<hbm>>
      %dma_wait3A_30 = arith.constant 0 : i32
      %dma_wait3A_31 = tpu.memref_slice %arg4[%add3A, %dma_wait3A_30] : memref<32x16xf32, #tpu.memory_space<hbm>> -> memref<1x16xf32, #tpu.memory_space<hbm>>
      %dma_wait3A_32 = tpu.memref_squeeze %dma_wait3A_31 : memref<1x16xf32, #tpu.memory_space<hbm>> -> memref<16xf32, #tpu.memory_space<hbm>>
      tpu.wait_dma2 semaphore(%run_scoped3A : memref<!tpu.dma_semaphore, #tpu.memory_space<semaphore_mem>>) src(%arg7 : memref<16xf32, #tpu.memory_space<vmem>>) dst(%dma_wait3A_32 : memref<16xf32, #tpu.memory_space<hbm>>)
      tpu.yield
    }) : () -> ()
    return
  }
}

module attributes {stable_mosaic.version = 14 : i64} {
  func.func @_tc_block(%arg0: i32, %arg1: memref<262144xf32, #tpu.memory_space<vmem>>, %arg2: memref<262144xi32, #tpu.memory_space<vmem>>, %arg3: memref<1x1xf32, #tpu.memory_space<smem>>) attributes {dimension_semantics = [#tpu.dimension_semantics<arbitrary>], iteration_bounds = array<i64: 3>, scalar_prefetch = 0 : i64, scratch_operands = 0 : i64, tpu.core_type = #tpu.core_type<tc>, window_params = [{transform_indices = @transform_0, window_bounds = array<i64: 262144>}, {transform_indices = @transform_1, window_bounds = array<i64: 262144>}, {transform_indices = @transform_2, window_bounds = array<i64: 1, 1>}]} {
    %get3A = arith.constant 0 : index
    %get3A_0 = vector.load %arg1[%get3A] : memref<262144xf32, #tpu.memory_space<vmem>>, vector<262144xf32>
    %get3A_1 = arith.constant 0 : index
    %get3A_2 = vector.load %arg2[%get3A_1] : memref<262144xi32, #tpu.memory_space<vmem>>, vector<262144xi32>
    %eq3A = arith.constant 0 : i32
    %eq3A_3 = vector.broadcast %eq3A : i32 to vector<262144xi32>
    %eq3A_4 = arith.cmpi eq, %get3A_2, %eq3A_3 : vector<262144xi32>
    %convert_element_type3A = arith.extui %eq3A_4 : vector<262144xi1> to vector<262144xi32>
    %convert_element_type3A_5 = arith.sitofp %convert_element_type3A : vector<262144xi32> to vector<262144xf32>
    %logistic3A = arith.negf %get3A_0 : vector<262144xf32>
    %logistic3A_6 = math.exp %logistic3A : vector<262144xf32>
    %logistic3A_7 = arith.constant 1.000000e+00 : f32
    %logistic3A_8 = vector.broadcast %logistic3A_7 : f32 to vector<262144xf32>
    %logistic3A_9 = arith.addf %logistic3A_8, %logistic3A_6 : vector<262144xf32>
    %logistic3A_10 = arith.divf %logistic3A_8, %logistic3A_9 : vector<262144xf32>
    %sub3A = arith.constant 1.000000e+00 : f32
    %sub3A_11 = vector.broadcast %sub3A : f32 to vector<262144xf32>
    %sub3A_12 = arith.subf %sub3A_11, %logistic3A_10 : vector<262144xf32>
    %mul3A = arith.mulf %sub3A_12, %convert_element_type3A_5 : vector<262144xf32>
    %sub3A_13 = arith.constant 1.000000e+00 : f32
    %sub3A_14 = vector.broadcast %sub3A_13 : f32 to vector<262144xf32>
    %sub3A_15 = arith.subf %sub3A_14, %convert_element_type3A_5 : vector<262144xf32>
    %mul3A_16 = arith.mulf %logistic3A_10, %sub3A_15 : vector<262144xf32>
    %add3A = arith.addf %mul3A, %mul3A_16 : vector<262144xf32>
    %mul3A_17 = arith.constant 2.500000e-01 : f32
    %mul3A_18 = vector.broadcast %mul3A_17 : f32 to vector<262144xf32>
    %mul3A_19 = arith.mulf %mul3A_18, %convert_element_type3A_5 : vector<262144xf32>
    %sub3A_20 = arith.constant 1.000000e+00 : f32
    %sub3A_21 = vector.broadcast %sub3A_20 : f32 to vector<262144xf32>
    %sub3A_22 = arith.subf %sub3A_21, %convert_element_type3A_5 : vector<262144xf32>
    %mul3A_23 = arith.constant 7.500000e-01 : f32
    %mul3A_24 = vector.broadcast %mul3A_23 : f32 to vector<262144xf32>
    %mul3A_25 = arith.mulf %mul3A_24, %sub3A_22 : vector<262144xf32>
    %add3A_26 = arith.addf %mul3A_19, %mul3A_25 : vector<262144xf32>
    %mul3A_27 = arith.mulf %add3A_26, %add3A : vector<262144xf32>
    %mul3A_28 = arith.mulf %mul3A_27, %add3A : vector<262144xf32>
    %max3A = arith.constant 0.000000e+00 : f32
    %max3A_29 = vector.broadcast %max3A : f32 to vector<262144xf32>
    %max3A_30 = arith.maximumf %get3A_0, %max3A_29 : vector<262144xf32>
    %mul3A_31 = arith.mulf %get3A_0, %convert_element_type3A_5 : vector<262144xf32>
    %sub3A_32 = arith.subf %max3A_30, %mul3A_31 : vector<262144xf32>
    %abs3A = math.absf %get3A_0 : vector<262144xf32>
    %neg3A = arith.constant 0.000000e+00 : f32
    %neg3A_33 = vector.broadcast %neg3A : f32 to vector<262144xf32>
    %neg3A_34 = arith.subf %neg3A_33, %abs3A : vector<262144xf32>
    %exp3A = math.exp %neg3A_34 : vector<262144xf32>
    %log1p3A = math.log1p %exp3A : vector<262144xf32>
    %add3A_35 = arith.addf %sub3A_32, %log1p3A : vector<262144xf32>
    %mul3A_36 = arith.mulf %add3A_35, %mul3A_28 : vector<262144xf32>
    %reduce_sum3A = vector.shape_cast %mul3A_36 : vector<262144xf32> to vector<1x262144xf32>
    %reduce_sum3A_37 = arith.constant dense<0.000000e+00> : vector<1xf32>
    %reduce_sum3A_38 = vector.multi_reduction <add>, %reduce_sum3A, %reduce_sum3A_37 [1] : vector<1x262144xf32> to vector<1xf32>
    %reduce_sum3A_39 = vector.shape_cast %reduce_sum3A_38 : vector<1xf32> to vector<1x1xf32>
    %reduce_sum3A_40 = vector.extract %reduce_sum3A_39[0, 0] : f32 from vector<1x1xf32>
    %eq3A_41 = arith.constant 0 : i32
    %eq3A_42 = arith.cmpi eq, %arg0, %eq3A_41 : i32
    %convert_element_type3A_43 = arith.extui %eq3A_42 : i1 to i32
    %cond3A = arith.constant 0 : i32
    %cond3A_44 = arith.cmpi ne, %convert_element_type3A_43, %cond3A : i32
    scf.if %cond3A_44 {
      %swap3A_51 = arith.constant 0.000000e+00 : f32
      %swap3A_52 = arith.constant 0 : index
      %swap3A_53 = arith.constant 0 : index
      %swap3A_54 = memref.load %arg3[%swap3A_52, %swap3A_53] : memref<1x1xf32, #tpu.memory_space<smem>>
      memref.store %swap3A_51, %arg3[%swap3A_52, %swap3A_53] : memref<1x1xf32, #tpu.memory_space<smem>>
    } else {
    }
    %get3A_45 = arith.constant 0 : index
    %get3A_46 = arith.constant 0 : index
    %get3A_47 = memref.load %arg3[%get3A_45, %get3A_46] : memref<1x1xf32, #tpu.memory_space<smem>>
    %add3A_48 = arith.addf %get3A_47, %reduce_sum3A_40 : f32
    %swap3A = arith.constant 0 : index
    %swap3A_49 = arith.constant 0 : index
    %swap3A_50 = memref.load %arg3[%swap3A, %swap3A_49] : memref<1x1xf32, #tpu.memory_space<smem>>
    memref.store %add3A_48, %arg3[%swap3A, %swap3A_49] : memref<1x1xf32, #tpu.memory_space<smem>>
    return
  }
  func.func @transform_0(%arg0: i32) -> i32 {
    %add3A = arith.constant 1 : i32
    %add3A_0 = arith.addi %add3A, %arg0 : i32
    %c0_i32 = arith.constant 0 : i32
    return %add3A_0 : i32
  }
  func.func @transform_1(%arg0: i32) -> i32 {
    %add3A = arith.constant 1 : i32
    %add3A_0 = arith.addi %add3A, %arg0 : i32
    %c0_i32 = arith.constant 0 : i32
    return %add3A_0 : i32
  }
  func.func @transform_2(%arg0: i32) -> (i32, i32) {
    %c0_i32 = arith.constant 0 : i32
    %c0_i32_0 = arith.constant 0 : i32
    %c0_i32_1 = arith.constant 0 : i32
    return %c0_i32, %c0_i32_0 : i32, i32
  }
}

</mosaic_0001>

<sc_bundles>
// kernel: kernel.4.cloned.1.call-start
scs
__scs_entry_jumppad:
0x0: {  	(pc) =	sbr.rel $0x88, $3  }
0x1: {  	(tag) =	ssettag $0x0;
	lr =	simm.s32 $0x1  }
0x2: {  	[smem:$0x3F9F] =	sst lr;
	_ =	strace $0xD0000000  }
0x3: {  	_ = 	snop  }
0x4: {  	_ = 	snop  }
0x5: {  	_ = 	snop  }
0x6: {  	_ = 	snop  }
0x7: {  	_ = 	snop  }
__scs_overlays_trampoline_lowered:
0x8: {  	[smem:$0x3FAE] =	sst s0  }
0x9: {  	[smem:$0x3FAF] =	sst s1  }
0xa: {  	[smem:$0x3FB0] =	sst s2  }
0xb: {  	[smem:$0x3FB1] =	sst s3  }
0xc: {  	[smem:$0x3FB2] =	sst s4  }
0xd: {  	[smem:$0x3FB3] =	sst s5  }
0xe: {  	[smem:$0x3FB4] =	sst s6  }
0xf: {  	[smem:$0x3FB5] =	sst s7  }
0x10: {  	[smem:$0x3FB6] =	sst s8  }
0x11: {  	[smem:$0x3FB7] =	sst s9;
	s0 =	simm.s32 @!p0 $0x0  }
0x12: {  	s1 =	sld [smem:$0x3F9D];
	s0 =	simm.s32 @p0 $0x1  }
0x13: {  	[smem:$0x3FB8] =	sst s0;
	s0 =	simm.s32 @!p1 $0x0  }
0x14: {  	s2 =	sld [smem:$0x3F9C];
	s0 =	simm.s32 @p1 $0x1  }
0x15: {  	[smem:$0x3FB9] =	sst s0;
	s0 =	simm.s32 @!p2 $0x0  }
0x16: {  	s3 =	sld [smem:$0x3FDB];
	s0 =	simm.s32 @p2 $0x1  }
0x17: {  	s4 =	simm.s32 $0x1BF5;
	[smem:$0x3FBB] =	sst s0  }
0x18: {  	s0 =	sld [smem:$0x3F9E];
	_ =	swait.ge [sflag:s4], $0x0  }
0x19: {  	s7 =	sld [smem:$0x3F9F]  }
0x1a: {  	s8 =	sadd.s32 $0xFFFFE003, lr  }
0x1b: {  	s9 =	sadd.s32 $0xFFFFFEF7, lr;
	s5 =	simm.s32 $0xFFFFFFFF;
	p2 =	slt.u32 s8, $0xFFFFF086  }
0x1c: {  	p1 =	slt.u32 s9, $0xF7A;
	s5 =	simm.s32 @!p2 $0x0  }
0x1d: {  	s5 =	simm.s32 @p1 $0x1;
	p0 =	seq.s32 s7, s2  }
0x1e: {  	s7 =	smul.u32 @!p0 $0xF7A, s2;
	p2 =	seq.s32 @!p0 s5, $0x0  }
0x1f: {  	s9 =	smul.u32 $0xF7A, s1;
	s8 =	simm.s32 @!p0 $0x1BF5;
	p2 =	por !p2, p0  }
0x20: {  	[sflag:s8] =	ssyncset.s32 @!p0 $0xFFFFF086;
	s6 =	sadd.s32 @!p0 s3, s7;
	s7 =	simm.s32 @!p0 $0x108  }
0x21: {  	s3 =	sadd.s32 s3, s9;
	s6 =	sadd.s32 @!p0 $0x88, s6;
	s7 =	simm.s32 @p2 $0x1082  }
0x22: {  	[simem:s7], [sflag:s8] =	dma.local @!p0 [hbm:s6], $0xF7A  }
0x23: {  	s9 =	sor.u32 $0xD0000000, s2;
	s6 =	simm.s32 $0x108;
	_ =	swait.ge @!p0 [sflag:s8], $0x0  }
0x24: {  	s3 =	sadd.s32 $0x88, s3;
	s6 =	simm.s32 @!p1 $0x1082;
	[sflag:s4] =	ssyncset.s32 $0xFFFFF086  }
0x25: {  	[simem:s6], [sflag:s4] =	dma.local [hbm:s3], $0xF7A  }
0x26: {  	[smem:$0x3F9F] =	sst s1;
	(tag) =	ssettag s2;
	_ =	strace s9  }
0x27: {  	s1 =	sld [smem:$0x3FAF]  }
0x28: {  	s2 =	sld [smem:$0x3FB0]  }
0x29: {  	s4 =	sld [smem:$0x3FB2]  }
0x2a: {  	p0 =	seq.s32 s5, $0x0;
	s5 =	sld [smem:$0x3FB3]  }
0x2b: {  	s6 =	sld [smem:$0x3FB4]  }
0x2c: {  	s7 =	sld [smem:$0x3FB5]  }
0x2d: {  	s3 =	simm.s32 $0x108;
	s8 =	sld [smem:$0x3FB6]  }
0x2e: {  	s3 =	simm.s32 @!p0 $0x1082;
	s9 =	sld [smem:$0x3FB7]  }
0x2f: {  	lr =	sadd.s32 s0, s3;
	s0 =	sld [smem:$0x3FAE]  }
0x30: {  	s3 =	sld [smem:$0x3FB1]  }
0x31: {  	[smem:$0x3FBA] =	sst s10  }
0x32: {  	s10 =	sld [smem:$0x3FB8];
	_ =	sdelay $0x3  }
0x33: {  	p0 =	seq.s32 s10, $0x1;
	s10 =	sld [smem:$0x3FBA];
	_ =	sdelay $0x3  }
0x34: {  	[smem:$0x3FBA] =	sst s10  }
0x35: {  	s10 =	sld [smem:$0x3FB9];
	_ =	sdelay $0x3  }
0x36: {  	p1 =	seq.s32 s10, $0x1;
	s10 =	sld [smem:$0x3FBA];
	_ =	sdelay $0x3  }
0x37: {  	[smem:$0x3FBA] =	sst s10  }
0x38: {  	s10 =	sld [smem:$0x3FBB]  }
0x39: {  	_ = 	snop;
	(pc) =	sbr.ind lr, $3  }
0x3a: {  	_ = 	snop  }
0x3b: {  	_ = 	snop  }
0x3c: {  	p2 =	seq.s32 s10, $0x1;
	s10 =	sld [smem:$0x3FBA]  }
0x3d: {  	_ =	shalt  }
0x3e: {  	_ =	shalt  }
0x3f: {  	_ =	shalt  }
0x40: {  	_ =	shalt  }
0x41: {  	_ =	shalt  }
0x42: {  	_ =	shalt  }
0x43: {  	_ =	shalt  }
0x44: {  	_ =	shalt  }
0x45: {  	_ =	shalt  }
0x46: {  	_ =	shalt  }
0x47: {  	_ =	shalt  }
0x48: {  	_ =	shalt  }
0x49: {  	_ =	shalt  }
0x4a: {  	_ =	shalt  }
0x4b: {  	_ =	shalt  }
0x4c: {  	_ =	shalt  }
0x4d: {  	_ =	shalt  }
0x4e: {  	_ =	shalt  }
0x4f: {  	_ =	shalt  }
0x50: {  	_ =	shalt  }
0x51: {  	_ =	shalt  }
0x52: {  	_ =	shalt  }
0x53: {  	_ =	shalt  }
0x54: {  	_ =	shalt  }
0x55: {  	_ =	shalt  }
0x56: {  	_ =	shalt  }
0x57: {  	_ =	shalt  }
0x58: {  	_ =	shalt  }
0x59: {  	_ =	shalt  }
0x5a: {  	_ =	shalt  }
0x5b: {  	_ =	shalt  }
0x5c: {  	_ =	shalt  }
0x5d: {  	_ =	shalt  }
0x5e: {  	_ =	shalt  }
0x5f: {  	_ =	shalt  }
0x60: {  	_ =	shalt  }
0x61: {  	_ =	shalt  }
0x62: {  	_ =	shalt  }
0x63: {  	_ =	shalt  }
0x64: {  	_ =	shalt  }
0x65: {  	_ =	shalt  }
0x66: {  	_ =	shalt  }
0x67: {  	_ =	shalt  }
0x68: {  	_ =	shalt  }
0x69: {  	_ =	shalt  }
0x6a: {  	_ =	shalt  }
0x6b: {  	_ =	shalt  }
0x6c: {  	_ =	shalt  }
0x6d: {  	_ =	shalt  }
0x6e: {  	_ =	shalt  }
0x6f: {  	_ =	shalt  }
0x70: {  	_ =	shalt  }
0x71: {  	_ =	shalt  }
0x72: {  	_ =	shalt  }
0x73: {  	_ =	shalt  }
0x74: {  	_ =	shalt  }
0x75: {  	_ =	shalt  }
0x76: {  	_ =	shalt  }
0x77: {  	_ =	shalt  }
0x78: {  	_ =	shalt  }
0x79: {  	_ =	shalt  }
0x7a: {  	_ =	shalt  }
0x7b: {  	_ =	shalt  }
0x7c: {  	_ =	shalt  }
0x7d: {  	_ =	shalt  }
0x7e: {  	_ =	shalt  }
0x7f: {  	_ =	shalt  }
0x80: {  	_ =	shalt  }
0x81: {  	_ =	shalt  }
0x82: {  	_ =	shalt  }
0x83: {  	_ =	shalt  }
0x84: {  	_ =	shalt  }
0x85: {  	_ =	shalt  }
0x86: {  	_ =	shalt  }
0x87: {  	_ =	shalt  }
.Lfunc_end0:
.L_simem_size_0:
called_computation_lowered:
.L_overlay_start_0:
0x88: {  	s2 =	sld [smem:$0x3FD9]  }
0x89: {  	s3 =	sld [smem:$0x3FFE];
	_ =	sdelay $0x1  }
0x8a: {  	s1 =	srdreg.scid  }
0x8b: {  	s0 =	sand.u32 $0x1, s1  }
0x8c: {  	s17 =	sshll.u32 s0, $0xA;
	s2 =	sadd.s32 s3, s2  }
0x8d: {  	s2 =	sadd.s32 s2, s17  }
0x8e: {  	[smem:$0x3FC6] =	sst s2  }
0x8f: {  	_ = 	snop  }
0x90: {  	s2 =	sld [smem:$0x3FC9]  }
0x91: {  	s18 =	sld [smem:$0x3FC8];
	(tm) =	ssettm $0x1  }
0x92: {  	s4 =	sld [smem:$0x3FFB];
	_ =	sdelay $0x3  }
0x93: {  	_ =	strace s4  }
0x94: {  	s4 =	sld [smem:$0x3FFC];
	_ =	sdelay $0x3  }
0x95: {  	_ =	strace s4  }
0x96: {  	s4 =	sld [smem:$0x3FFD];
	_ =	sdelay $0x3  }
0x97: {  	_ =	strace s4  }
0x98: {  	_ =	strace $0x8FFFFFFF  }
0x99: {  	s19 =	sld [smem:$0x3FDB];
	_ =	sdelay $0x1  }
0x9a: {  	s5 =	simm.s32 $_scs_section_size  }
0x9b: {  	s6 =	simm.s32 $_size__tile_overlayer_lowered;
	s7 =	simm.s32 $_tile_overlayer_lowered  }
0x9c: {  	s22 =	simm.s32 $0x1BFF;
	s21 =	sshll.u32 s7, $0x1;
	s4 =	sadd.s32 s5, s19  }
0x9d: {  	s8 =	simm.s32 $0x0;
	s20 =	sshll.u32 s6, $0x1;
	s6 =	sadd.s32 s21, s4  }
0x9e: {  	[timem:s8], [sflag:s22] =	dma.local [hbm:s6], s20  }
0x9f: {  	_ =	swait.ge [sflag:s22], s20  }
0xa0: {  	s5 =	ssub.s32 $0x0, s20;
	[sflag:s22] =	ssyncset.done $0x0  }
0xa1: {  	[sflag:s22] =	ssyncadd.s32 s5;
	_ =	sdelay $0x1  }
0xa2: {  	s23 =	simm.s32 $0x1B8B  }
0xa3: {  	_ =	swait.ge [sflag:s23], $0x1  }
0xa4: {  	[sflag:s23] =	ssyncset.done $0x0  }
0xa5: {  	s25 =	simm.s32 $0x1B8E;
	s24 =	sld [smem:$0x3FFE];
	[sflag:s23] =	ssyncadd.s32 $0xFFFFFFFF  }
0xa6: {  	s26 =	simm.s32 $execute0_lowered;
	[smem:$0x3FD2] =	sst s25  }
0xa7: {  	s6 =	sshll.u32 s26, $0x1;
	_ =	strace $0x80000046;
	[dreg:$0x1] =	wrdreg $0xFFFFFFFF  }
0xa8: {  	s28 =	simm.s32 $_size_execute0_lowered;
	s4 =	sadd.s32 s4, s6;
	[dreg:$0x0] =	wrdreg $0x0  }
0xa9: {  	s6 =	sshll.u32 s28, $0x1;
	[dreg:$0x2] =	wrdreg s4  }
0xaa: {  	[dreg:$0x3] =	wrdreg s6  }
0xab: {  	[dreg:$0x4] =	wrdreg $0xC0  }
0xac: {  	_ =	task [dreg:s8], $0x5FFFF  }
0xad: {  	[dreg:$0x1] =	wrdreg $0xFFFFFFFF  }
0xae: {  	[dreg:$0x0] =	wrdreg $0x60  }
0xaf: {  	[dreg:$0x2] =	wrdreg s2  }
0xb0: {  	[dreg:$0x3] =	wrdreg s18  }
0xb1: {  	[dreg:$0x4] =	wrdreg s24  }
0xb2: {  	[dreg:$0x5] =	wrdreg $0x9  }
0xb3: {  	_ =	task.clear_ibuf [dreg:s8], $0x6FFFF;
	_ =	strace $0x90000046  }
0xb4: {  	s29 =	simm.s32 $0x9;
	_ =	strace $0x80000048  }
0xb5: {  	_ =	swait.ge [sflag:s29], $0x1  }
0xb6: {  	[sflag:s29] =	ssyncadd.s32 $0xFFFFFFFF  }
0xb7: {  	_ =	strace $0x90000048  }
0xb8: {  	_ =	sfence  }
0xb9: {  	s30 =	sld [smem:$0x0];
	_ =	sdelay $0x2  }
0xba: {  	s31 =	sshll.u32 s1, $0xD;
	s1 =	sshrl.u32 s1, $0x2  }
0xbb: {  	s3 =	sand.u32 $0x4000, s31;
	s1 =	sadd.s32 s1, s30  }
0xbc: {  	s0 =	sor.u32 s3, s0;
	s1 =	sshll.u32 s1, $0x11  }
0xbd: {  	s0 =	sor.u32 s1, s0  }
0xbe: {  	s0 =	sadd.s32 $0x8F2B, s0  }
0xbf: {  	[sflag:s0] =	ssyncadd.remote.s32 $0x1  }
0xc0: {  	_ =	sfence.sel $0xFFFF  }
0xc1: {  	[dreg:$0x0] =	wrdreg $0xFFFFFFFF;
	(pc) =	sbr.abs _section_cstart, $3  }
0xc2: {  	[dreg:$0x1] =	wrdreg $0xFFFFFFFF  }
0xc3: {  	_ =	task.clear_ibuf [dreg:s8], $0x2FFFF;
	_ =	strace $0x9FFFFFFF  }
0xc4: {  	(tm) =	ssettm $0x7FFFFFFF  }
0xc5: {  	_ =	shalt  }
tec
execute0_lowered:
.L_overlay_start_1:
0x0: {  	(tag) =	ssettag $0x1  }
0x1: {  	s3 =	rddreg [dreg:$0x0]  }
0x2: {  	s4 =	rddreg [dreg:$0x1]  }
0x3: {  	s5 =	rddreg [dreg:$0x2]  }
0x4: {  	s0 =	rddreg [dreg:$0x3]  }
0x5: {  	s2 =	simm.s32 $0x0;
	s6 =	srdreg.scid;
	s1 =	stileid.u32  }
0x6: {  	s10 =	simm.s32 $0x4000;
	s11 =	simm.s32 $0x3;
	s12 =	simm.s32 $0x0  }
0x7: {  	[smem:$0x7FF] =	sst s2;
	s6 =	sand.u32 $0x1, s6;
	s7 =	sshll.u32 s1, $0x1  }
0x8: {  	_ =	strace $0x80000047;
	s7 =	sor.u32 s6, s7;
	s6 =	ssub.s32 $0x2, s6  }
0x9: {  	s8 =	sshll.u32 s7, $0x4;
	s9 =	sshrl.u32 s6, $0x1;
	s7 =	sshll.u32 s7, $0xA  }
0xa: {  	s5 =	sadd.s32 s8, s5;
	s6 =	ssub.s32 s6, s9;
	s3 =	sadd.s32 s3, s7  }
0xb: {  	s4 =	sadd.s32 s4, s7;
	s7 =	simm.s32 $0x2000;
	s8 =	simm.s32 $0x1  }
0xc: {  	v0 =	vimm.f32 $7.500000000e-01;
	s9 =	simm.s32 $0x2;
	s5 =	sadd.s32 $0x400, s5;
	s6 =	smax.u32 s6, $0x1  }
.LBB2_1:
0xd: {  	[tilespmem:s2], [sflag:$0x1] =	stream.linear.gather [hbm4b:s3+s2], $0x2000, $0x38;
	[tilespmem:$0x4080] =	vst v63  }
0xe: {  	_ = 	snop  }
0xf: {  	[tilespmem:s7], [sflag:$0x2] =	stream.linear.gather [hbm4b:s4+s2], $0x2000, $0x38;
	[tilespmem:$0x4080] =	vst v63  }
0x10: {  	_ =	swait.ge [sflag:s8], $0x2000  }
0x11: {  	[sflag:s8] =	ssyncset.done $0x0  }
0x12: {  	[sflag:s8] =	ssyncadd.s32 $0xFFFFE000  }
0x13: {  	_ =	swait.ge [sflag:s9], $0x2000  }
0x14: {  	[sflag:s9] =	ssyncset.done $0x0  }
0x15: {  	s13 =	simm.s32 $0x0;
	[sflag:s9] =	ssyncadd.s32 $0xFFFFE000  }
0x16: {  	v2 =	vld [tilespmem:s13+$0x30];
	_ =	sdelay $0x2  }
0x17: {  	v3 =	vld [tilespmem:s13+$0x0]  }
0x18: {  	v4 =	vld [tilespmem:s13+$0x10]  }
0x19: {  	v1 =	vand.u32 $0x7FFFFFFF, v2  }
0x1a: {  	v5 =	vld [tilespmem:s13+$0x20];
	v1 =	vsub.f32 $0.0e+00, v1;
	_ =	sdelay $0x1  }
0x1b: {  	v6 =	vand.u32 $0x7FFFFFFF, v3;
	v1 =	vmul.f32 $1.442695020e+00, v1  }
0x1c: {  	v7 =	vand.u32 $0x7FFFFFFF, v4;
	v6 =	vsub.f32 $0.0e+00, v6  }
0x1d: {  	(erf) = vpow2.f32 v1;
	v1 =	vsub.f32 $0.0e+00, v7  }
0x1e: {  	v8 =	vand.u32 $0x7FFFFFFF, v5;
	v6 =	vmul.f32 $1.442695020e+00, v6  }
0x1f: {  	v7 =	vsub.f32 $0.0e+00, v8;
	v1 =	vmul.f32 $1.442695020e+00, v1  }
0x20: {  	(erf) = vpow2.f32 v6  }
0x21: {  	v7 =	vmul.f32 $1.442695020e+00, v7;
	(erf) = vpow2.f32 v1;
	_ =	sdelay $0x1  }
0x22: {  	(erf) = vpow2.f32 v7;
	_ =	sdelay $0x2  }
0x23: {  	v6 =	vpop (erf)  }
0x24: {  	v9 =	vld [tilespmem:s13+$0x2020];
	v1 =	vadd.f32 $2.000000000e+00, v6;
	_ =	sdelay $0x1  }
0x25: {  	v8 =	vld [tilespmem:s13+$0x2010];
	v14 =	vpop (erf);
	(erf) = vrcp.f32 v1  }
0x26: {  	v7 =	vld [tilespmem:s13+$0x2000];
	v1 =	vadd.f32 $2.000000000e+00, v14;
	v15 =	vpop (erf)  }
0x27: {  	v10 =	vadd.f32 $2.000000000e+00, v15  }
0x28: {  	v12 =	vsub.f32 $0.0e+00, v5;
	vm3 =	veq.s32 v9, $0x0;
	v16 =	vpop (erf);
	(erf) = vrcp.f32 v1  }
0x29: {  	vm5 =	vge.f32 v3, $0.0e+00;
	v11 =	vadd.f32 $2.000000000e+00, v16;
	(erf) = vrcp.f32 v10  }
0x2a: {  	vm4 =	vge.f32 v4, $0.0e+00;
	vm1 =	vge.f32 v5, $0.0e+00;
	v10 =	vsub.f32 $0.0e+00, v3  }
0x2b: {  	vm2 =	veq.s32 v8, $0x0;
	vm0 =	veq.s32 v7, $0x0;
	(erf) = vrcp.f32 v11  }
0x2c: {  	vm6 =	vmmov vm2;
	v11 =	vsub.f32 $0.0e+00, v4;
	v7 =	vsel vm0, v10, v3  }
0x2d: {  	v10 =	vsel vm3, v12, v5;
	v8 =	vmax.f32 v7, $0.0e+00;
	v7 =	vadd.f32 $1.000000000e+00, v14  }
0x2e: {  	v3 =	vadd.f32 $1.000000000e+00, v16;
	v9 =	vsel vm2, v11, v4;
	v11 =	vadd.f32 $1.000000000e+00, v15;
	v12 =	vpop (erf)  }
0x2f: {  	v13 =	vsel vm0, $0x3E800000, v0;
	(erf) = vrcp.f32 v7;
	v7 =	vmul.f32 v12, v6  }
0x30: {  	v1 =	vimm.f32 $0.0e+00;
	vm0 =	vmmov vm0;
	(erf) = vrcp.f32 v11  }
0x31: {  	v10 =	vmax.f32 v10, $0.0e+00;
	v9 =	vmax.f32 v9, $0.0e+00;
	v5 =	vpop (erf);
	v4 =	vmul.f32 v7, v7  }
0x32: {  	v11 =	vsel vm2, $0x3E800000, v0;
	(erf) = vrcp.f32 v3;
	v5 =	vmul.f32 v5, v14;
	v3 =	vpop (erf)  }
0x33: {  	v12 =	vsel vm3, $0x3E800000, v0;
	v17 =	vmul.f32 $1.111111120e-01, v4;
	v3 =	vmul.f32 v3, v15  }
0x34: {  	v7 =	vadd.f32 v7, v7;
	v18 =	vpop (erf);
	v19 =	vmul.f32 v5, v5;
	v5 =	vadd.f32 v5, v5  }
0x35: {  	v18 =	vmul.f32 v18, v16;
	v17 =	vadd.f32 $1.428571490e-01, v17;
	v20 =	vmul.f32 v3, v3  }
0x36: {  	v21 =	vadd.f32 v3, v3;
	v3 =	vadd.f32 $1.000000000e+00, v6;
	v23 =	vmul.f32 $1.111111120e-01, v19  }
0x37: {  	s14 =	simm.s32 $0x40;
	v22 =	vmul.f32 v18, v18;
	v18 =	vadd.f32 v18, v18;
	v17 =	vmul.f32 v17, v4  }
0x38: {  	v29 =	vld [tilespmem:s14+$0x10];
	v24 =	vpop (erf);
	v25 =	vmul.f32 $1.111111120e-01, v20;
	(erf) = vrcp.f32 v3;
	v3 =	vadd.f32 $1.428571490e-01, v23  }
0x39: {  	v26 =	vmul.f32 $1.111111120e-01, v22;
	v27 =	vpop (erf);
	v14 =	vmul.f32 v24, v14;
	v17 =	vadd.f32 $2.000000030e-01, v17  }
0x3a: {  	v23 =	vadd.f32 $1.428571490e-01, v25;
	v15 =	vmul.f32 v27, v15;
	v28 =	vmul.f32 v3, v19  }
0x3b: {  	v3 =	vld [tilespmem:s14+$0x30];
	v26 =	vadd.f32 $1.428571490e-01, v26;
	v24 =	vsel vm5, v24, v14;
	vm5 =	vmmov vm3  }
0x3c: {  	vm3 =	vge.f32 v2, $0.0e+00;
	v17 =	vmul.f32 v17, v4;
	v14 =	vmul.f32 v23, v20;
	v23 =	vld [tilespmem:s13+$0x2030]  }
0x3d: {  	v25 =	vpop (erf);
	v28 =	vadd.f32 $2.000000030e-01, v28;
	v15 =	vsel vm4, v27, v15;
	vm4 =	vge.f32 v29, $0.0e+00  }
0x3e: {  	v16 =	vmul.f32 v25, v16;
	v26 =	vmul.f32 v26, v22;
	v17 =	vadd.f32 $3.333333430e-01, v17  }
0x3f: {  	v14 =	vadd.f32 $2.000000030e-01, v14;
	v27 =	vmul.f32 v28, v19;
	v28 =	vsub.f32 $0.0e+00, v2  }
0x40: {  	v26 =	vadd.f32 $2.000000030e-01, v26;
	v30 =	vand.u32 $0x7FFFFFFF, v3;
	v4 =	vmul.f32 v17, v4  }
0x41: {  	v17 =	vld [tilespmem:s14+$0x0];
	v14 =	vmul.f32 v14, v20;
	v27 =	vadd.f32 $3.333333430e-01, v27;
	vm2 =	veq.s32 v23, $0x0;
	v23 =	vpop (erf)  }
0x42: {  	v30 =	vsub.f32 $0.0e+00, v30;
	v4 =	vadd.f32 $1.000000000e+00, v4;
	v6 =	vmul.f32 v23, v6  }
0x43: {  	v31 =	vld [tilespmem:s14+$0x20];
	v26 =	vmul.f32 v26, v22;
	v28 =	vsel vm2, v28, v2;
	v14 =	vadd.f32 $3.333333430e-01, v14  }
0x44: {  	v4 =	vmul.f32 v4, v7;
	v6 =	vsel vm3, v23, v6;
	v23 =	vmul.f32 $1.442695020e+00, v30  }
0x45: {  	v19 =	vmul.f32 v27, v19;
	v2 =	vmax.f32 v28, $0.0e+00;
	v28 =	vsel vm2, $0x3E800000, v0  }
0x46: {  	v7 =	vand.u32 $0x7FFFFFFF, v17;
	v2 =	vadd.f32 v4, v2;
	(erf) = vpow2.f32 v23  }
0x47: {  	v30 =	vand.u32 $0x7FFFFFFF, v29;
	v4 =	vsub.f32 $1.000000000e+00, v6;
	v7 =	vsub.f32 $0.0e+00, v7  }
0x48: {  	v23 =	vand.u32 $0x7FFFFFFF, v31;
	v2 =	vmul.f32 v2, v28;
	v28 =	vsub.f32 $0.0e+00, v30  }
0x49: {  	v4 =	vsel vm2, v4, v6;
	v6 =	vsub.f32 $0.0e+00, v23;
	v7 =	vmul.f32 $1.442695020e+00, v7  }
0x4a: {  	v32 =	vld [tilespmem:s14+$0x2020];
	v26 =	vadd.f32 $3.333333430e-01, v26;
	v20 =	vmul.f32 v14, v20;
	v28 =	vmul.f32 $1.442695020e+00, v28  }
0x4b: {  	v16 =	vsel vm1, v25, v16;
	v23 =	vld [tilespmem:s14+$0x2010];
	v6 =	vmul.f32 $1.442695020e+00, v6;
	(erf) = vpow2.f32 v7  }
0x4c: {  	v19 =	vadd.f32 $1.000000000e+00, v19;
	v22 =	vmul.f32 v26, v22;
	(erf) = vpow2.f32 v28  }
0x4d: {  	vm3 =	vge.f32 v31, $0.0e+00;
	v20 =	vadd.f32 $1.000000000e+00, v20;
	v30 =	vld [tilespmem:s14+$0x2000];
	(erf) = vpow2.f32 v6  }
0x4e: {  	vm7 =	vge.f32 v17, $0.0e+00;
	v19 =	vmul.f32 v19, v5;
	v5 =	vadd.f32 $1.000000000e+00, v22  }
0x4f: {  	vm2 =	veq.s32 v32, $0x0;
	v20 =	vmul.f32 v20, v21;
	v2 =	vmul.f32 v2, v4;
	v14 =	vpop (erf)  }
0x50: {  	v8 =	vadd.f32 v19, v8;
	vm1 =	veq.s32 v23, $0x0;
	v23 =	vadd.f32 $2.000000000e+00, v14  }
0x51: {  	v7 =	vsub.f32 $0.0e+00, v17;
	v2 =	vmul.f32 v2, v4;
	v4 =	vsub.f32 $0.0e+00, v29  }
0x52: {  	v6 =	vsub.f32 $0.0e+00, v31;
	vm8 =	veq.s32 v30, $0x0;
	(erf) = vrcp.f32 v23  }
0x53: {  	v19 =	vsub.f32 $1.000000000e+00, v24;
	v18 =	vmul.f32 v5, v18;
	v7 =	vsel vm8, v7, v17  }
0x54: {  	v22 =	vsel vm1, v4, v29;
	v4 =	vmax.f32 v7, $0.0e+00;
	v7 =	vsel vm2, v6, v31;
	v25 =	vpop (erf)  }
0x55: {  	v9 =	vadd.f32 v20, v9;
	v5 =	vmax.f32 v7, $0.0e+00;
	v7 =	vadd.f32 $2.000000000e+00, v25;
	v27 =	vpop (erf)  }
0x56: {  	v20 =	vsub.f32 $1.000000000e+00, v16;
	v8 =	vmul.f32 v8, v13;
	v17 =	vadd.f32 $2.000000000e+00, v27;
	v29 =	vpop (erf)  }
0x57: {  	v6 =	vmax.f32 v22, $0.0e+00;
	(erf) = vrcp.f32 v7;
	v22 =	vadd.f32 $2.000000000e+00, v29  }
0x58: {  	v10 =	vadd.f32 v18, v10;
	v21 =	vadd.f32 $1.000000000e+00, v25;
	(erf) = vrcp.f32 v17  }
0x59: {  	v18 =	vsub.f32 $1.000000000e+00, v15;
	v23 =	vadd.f32 $1.000000000e+00, v27;
	(erf) = vrcp.f32 v22  }
0x5a: {  	v9 =	vmul.f32 v9, v11;
	v17 =	vadd.f32 $1.000000000e+00, v29;
	(erf) = vrcp.f32 v21  }
0x5b: {  	v11 =	vmul.f32 v10, v12;
	v12 =	vsel vm5, v20, v16;
	(erf) = vrcp.f32 v23;
	v13 =	vpop (erf)  }
0x5c: {  	v2 =	vadd.f32 v2, v1;
	(erf) = vrcp.f32 v17;
	v23 =	vmul.f32 v13, v14  }
0x5d: {  	v17 =	vsel vm0, v19, v24;
	v13 =	vsel vm6, v18, v15;
	v15 =	vmul.f32 v11, v12  }
0x5e: {  	v10 =	vsel vm1, $0x3E800000, v0;
	v8 =	vmul.f32 v8, v17;
	v26 =	vmul.f32 v23, v23  }
0x5f: {  	v7 =	vsel vm8, $0x3E800000, v0;
	v9 =	vmul.f32 v9, v13;
	v12 =	vmul.f32 v15, v12  }
0x60: {  	v11 =	vsel vm2, $0x3E800000, v0;
	v16 =	vpop (erf);
	v8 =	vmul.f32 v8, v17;
	v17 =	vmul.f32 $1.111111120e-01, v26  }
0x61: {  	vm0 =	vmmov vm8;
	v9 =	vmul.f32 v9, v13;
	v13 =	vmul.f32 v16, v25;
	v16 =	vpop (erf)  }
0x62: {  	v8 =	vadd.f32 v8, v1;
	v16 =	vmul.f32 v16, v27;
	v18 =	vpop (erf);
	v19 =	vadd.f32 $1.428571490e-01, v17  }
0x63: {  	v22 =	vmul.f32 v13, v13;
	v15 =	vmul.f32 v18, v29;
	v18 =	vadd.f32 v13, v13  }
0x64: {  	v21 =	vmul.f32 v16, v16;
	v17 =	vadd.f32 v16, v16;
	v16 =	vmul.f32 v19, v26  }
0x65: {  	v13 =	vadd.f32 $1.000000000e+00, v14;
	v31 =	vpop (erf);
	v28 =	vmul.f32 $1.111111120e-01, v22;
	v20 =	vmul.f32 v15, v15  }
0x66: {  	v63 =	vmul.f32 v31, v25;
	v19 =	vadd.f32 v15, v15;
	v30 =	vmul.f32 $1.111111120e-01, v21  }
0x67: {  	v24 =	vpop (erf);
	(erf) = vrcp.f32 v13;
	v16 =	vadd.f32 $2.000000030e-01, v16;
	v15 =	vmul.f32 $1.111111120e-01, v20  }
0x68: {  	v25 =	vpop (erf);
	v13 =	vadd.f32 $1.428571490e-01, v28;
	v28 =	vmul.f32 v24, v27;
	v33 =	vadd.f32 $1.428571490e-01, v30  }
0x69: {  	v29 =	vmul.f32 v25, v29;
	v35 =	vmul.f32 v16, v26;
	v34 =	vadd.f32 $1.428571490e-01, v15  }
0x6a: {  	s13 =	simm.s32 $0x80;
	v27 =	vld [tilespmem:s14+$0x2030];
	v30 =	vmul.f32 v13, v22;
	v13 =	vimm.f32 $0.0e+00;
	v32 =	vmul.f32 v33, v21  }
0x6b: {  	s14 =	simm.s32 $0x300;
	v16 =	vld [tilespmem:s13+$0x30];
	v15 =	vsel vm7, v31, v63;
	v31 =	vadd.f32 $3.333333430e-01, v35;
	v33 =	vmul.f32 v34, v20  }
.LBB2_2:
0x6c: {  	v30 =	vadd.f32 $2.000000030e-01, v30;
	v32 =	vadd.f32 $2.000000030e-01, v32  }
0x6d: {  	p0 =	sne.s32 s14, $0x7F00;
	v34 =	vld [tilespmem:s13+$0x0];
	v24 =	vsel vm4, v24, v28;
	vm6 =	vmmov vm1;
	vm5 =	vmmov vm2  }
0x6e: {  	v28 =	vld [tilespmem:s13+$0x10];
	v33 =	vadd.f32 $2.000000030e-01, v33;
	v25 =	vsel vm3, v25, v29;
	v26 =	vmul.f32 v31, v26  }
0x6f: {  	v29 =	vld [tilespmem:s13+$0x20];
	v30 =	vmul.f32 v30, v22;
	v31 =	vmul.f32 v32, v21;
	v32 =	vsub.f32 $0.0e+00, v3  }
0x70: {  	v23 =	vadd.f32 v23, v23;
	v35 =	vld [tilespmem:s13+$0x2000];
	v33 =	vmul.f32 v33, v20;
	v26 =	vadd.f32 $1.000000000e+00, v26  }
0x71: {  	vm1 =	veq.s32 v27, $0x0;
	v36 =	vld [tilespmem:s13+$0x2010];
	v37 =	vand.u32 $0x7FFFFFFF, v16;
	v30 =	vadd.f32 $3.333333430e-01, v30;
	v27 =	vpop (erf)  }
0x72: {  	v38 =	vld [tilespmem:s13+$0x2020];
	v14 =	vmul.f32 v27, v14;
	v23 =	vmul.f32 v26, v23;
	v26 =	vsel vm1, v32, v3  }
0x73: {  	vm2 =	vge.f32 v3, $0.0e+00;
	v32 =	vsub.f32 $0.0e+00, v37;
	v3 =	vmovc v16;
	v26 =	vmax.f32 v26, $0.0e+00  }
0x74: {  	v16 =	vand.u32 $0x7FFFFFFF, v34;
	v23 =	vadd.f32 v23, v26;
	v14 =	vsel vm2, v27, v14  }
0x75: {  	v26 =	vmul.f32 $1.442695020e+00, v32;
	v32 =	vsel vm1, $0x3E800000, v0;
	v27 =	vsub.f32 $1.000000000e+00, v14  }
0x76: {  	v37 =	vand.u32 $0x7FFFFFFF, v28;
	v39 =	vand.u32 $0x7FFFFFFF, v29;
	v23 =	vmul.f32 v23, v32  }
0x77: {  	v16 =	vsub.f32 $0.0e+00, v16;
	(erf) = vpow2.f32 v26;
	v14 =	vsel vm1, v27, v14  }
0x78: {  	v26 =	vsub.f32 $0.0e+00, v37;
	v27 =	vsub.f32 $0.0e+00, v39;
	v23 =	vmul.f32 v23, v14  }
0x79: {  	v31 =	vadd.f32 $3.333333430e-01, v31;
	v16 =	vmul.f32 $1.442695020e+00, v16;
	v32 =	vadd.f32 $3.333333430e-01, v33  }
0x7a: {  	v33 =	vsub.f32 $0.0e+00, v34;
	v26 =	vmul.f32 $1.442695020e+00, v26;
	v14 =	vmul.f32 v23, v14  }
0x7b: {  	v27 =	vmul.f32 $1.442695020e+00, v27;
	v23 =	vsub.f32 $0.0e+00, v28;
	(erf) = vpow2.f32 v16  }
0x7c: {  	v16 =	vmul.f32 v30, v22;
	(erf) = vpow2.f32 v26;
	v2 =	vadd.f32 v14, v2  }
0x7d: {  	v22 =	vsub.f32 $0.0e+00, v29;
	(erf) = vpow2.f32 v27;
	v27 =	vmul.f32 v31, v21  }
0x7e: {  	vm8 =	veq.s32 v35, $0x0;
	v20 =	vmul.f32 v32, v20;
	v16 =	vadd.f32 $1.000000000e+00, v16  }
0x7f: {  	vm1 =	veq.s32 v36, $0x0;
	vm2 =	veq.s32 v38, $0x0;
	v21 =	vadd.f32 $1.000000000e+00, v27  }
0x80: {  	v26 =	vsel vm8, v33, v34;
	v16 =	vmul.f32 v16, v18;
	v18 =	vadd.f32 $1.000000000e+00, v20;
	v14 =	vpop (erf)  }
0x81: {  	v20 =	vsel vm1, v23, v28;
	v23 =	vadd.f32 $2.000000000e+00, v14;
	v17 =	vmul.f32 v21, v17  }
0x82: {  	v22 =	vsel vm2, v22, v29;
	v21 =	vmax.f32 v26, $0.0e+00;
	v18 =	vmul.f32 v18, v19  }
0x83: {  	v19 =	vmax.f32 v20, $0.0e+00;
	v20 =	vmax.f32 v22, $0.0e+00;
	(erf) = vrcp.f32 v23  }
0x84: {  	vm7 =	vge.f32 v34, $0.0e+00;
	vm4 =	vge.f32 v28, $0.0e+00;
	vm3 =	vge.f32 v29, $0.0e+00;
	v27 =	vpop (erf)  }
0x85: {  	v26 =	vsel vm8, $0x3E800000, v0;
	v22 =	vadd.f32 $1.000000000e+00, v27;
	v23 =	vadd.f32 $2.000000000e+00, v27;
	v28 =	vpop (erf)  }
0x86: {  	v31 =	vsel vm1, $0x3E800000, v0;
	v29 =	vadd.f32 $1.000000000e+00, v28;
	v30 =	vadd.f32 $2.000000000e+00, v28;
	v33 =	vpop (erf)  }
0x87: {  	v32 =	vadd.f32 $1.000000000e+00, v33;
	v34 =	vadd.f32 $2.000000000e+00, v33;
	(erf) = vrcp.f32 v23  }
0x88: {  	v16 =	vadd.f32 v16, v4;
	v4 =	vmovc v21;
	v17 =	vadd.f32 v17, v6;
	v6 =	vmovc v19;
	(erf) = vrcp.f32 v30  }
0x89: {  	v19 =	vsub.f32 $1.000000000e+00, v15;
	v18 =	vadd.f32 v18, v5;
	v5 =	vmovc v20;
	(erf) = vrcp.f32 v34  }
0x8a: {  	v21 =	vsub.f32 $1.000000000e+00, v25;
	v20 =	vsub.f32 $1.000000000e+00, v24;
	(erf) = vrcp.f32 v22  }
0x8b: {  	v16 =	vmul.f32 v16, v7;
	v7 =	vmovc v26;
	v22 =	vsel vm2, $0x3E800000, v0;
	(erf) = vrcp.f32 v29  }
0x8c: {  	v15 =	vsel vm0, v19, v15;
	v17 =	vmul.f32 v17, v10;
	(erf) = vrcp.f32 v32;
	v23 =	vpop (erf)  }
0x8d: {  	v19 =	vsel vm6, v20, v24;
	v18 =	vmul.f32 v18, v11;
	v10 =	vmovc v31;
	v23 =	vmul.f32 v23, v14  }
0x8e: {  	v20 =	vsel vm5, v21, v25;
	v16 =	vmul.f32 v16, v15;
	v17 =	vmul.f32 v17, v19;
	v11 =	vmovc v22  }
0x8f: {  	v1 =	vadd.f32 v9, v1;
	v18 =	vmul.f32 v18, v20;
	v26 =	vmul.f32 v23, v23  }
0x90: {  	v13 =	vadd.f32 v12, v13;
	v15 =	vmul.f32 v16, v15;
	v9 =	vmul.f32 v17, v19;
	v21 =	vpop (erf)  }
0x91: {  	vm0 =	vmmov vm8;
	v16 =	vmul.f32 v21, v27;
	v17 =	vmul.f32 $1.111111120e-01, v26;
	v12 =	vpop (erf)  }
0x92: {  	v8 =	vadd.f32 v15, v8;
	v19 =	vmul.f32 v12, v28;
	v21 =	vpop (erf);
	v12 =	vmul.f32 v18, v20  }
0x93: {  	v22 =	vmul.f32 v16, v16;
	v15 =	vmul.f32 v21, v33;
	v31 =	vadd.f32 $1.428571490e-01, v17;
	v29 =	vpop (erf)  }
0x94: {  	v18 =	vadd.f32 v16, v16;
	v21 =	vmul.f32 v19, v19;
	v17 =	vadd.f32 v19, v19;
	v24 =	vpop (erf)  }
0x95: {  	v16 =	vadd.f32 $1.000000000e+00, v14;
	v20 =	vmul.f32 v15, v15;
	v30 =	vmul.f32 v31, v26;
	v25 =	vpop (erf)  }
0x96: {  	v31 =	vmul.f32 $1.111111120e-01, v22;
	v19 =	vadd.f32 v15, v15;
	v32 =	vmul.f32 $1.111111120e-01, v21  }
.Ltmp0:
0x97: {  	v15 =	vmul.f32 $1.111111120e-01, v20;
	v30 =	vadd.f32 $2.000000030e-01, v30;
	(erf) = vrcp.f32 v16;
	(pc) =	sbr.rel @p0 .LBB2_2-.Ltmp0, $4  }
0x98: {  	v16 =	vmul.f32 v29, v27;
	v27 =	vadd.f32 $1.428571490e-01, v31;
	v31 =	vadd.f32 $1.428571490e-01, v32  }
0x99: {  	v28 =	vmul.f32 v24, v28;
	v34 =	vadd.f32 $1.428571490e-01, v15;
	v35 =	vmul.f32 v30, v26  }
0x9a: {  	v30 =	vmul.f32 v27, v22;
	v15 =	vsel vm7, v29, v16;
	v32 =	vmul.f32 v31, v21;
	v27 =	vld [tilespmem:s13+$0x2030];
	s13 =	sshra.s32 s14, $0x2  }
0x9b: {  	v29 =	vmul.f32 v25, v33;
	s14 =	sadd.s32 $0x100, s14;
	v16 =	vld [tilespmem:s13+$0x30];
	v33 =	vmul.f32 v34, v20;
	v31 =	vadd.f32 $3.333333430e-01, v35  }
0x9c: {  	v30 =	vadd.f32 $2.000000030e-01, v30;
	v32 =	vadd.f32 $2.000000030e-01, v32  }
0x9d: {  	v24 =	vsel vm4, v24, v28;
	vm5 =	vmmov vm1;
	vm15 =	vmmov vm2  }
0x9e: {  	v46 =	vsub.f32 $0.0e+00, v3;
	v23 =	vadd.f32 v23, v23;
	vm9 =	vge.f32 v3, $0.0e+00  }
0x9f: {  	v43 =	vld [tilespmem:s13+$0x0];
	v1 =	vadd.f32 v9, v1;
	v33 =	vadd.f32 $2.000000030e-01, v33;
	v26 =	vmul.f32 v31, v26  }
0xa0: {  	v47 =	vld [tilespmem:s13+$0x10];
	v25 =	vsel vm3, v25, v29;
	v44 =	vmul.f32 v30, v22;
	v45 =	vmul.f32 v32, v21  }
0xa1: {  	v35 =	vld [tilespmem:s13+$0x20];
	v33 =	vmul.f32 v33, v20;
	v26 =	vadd.f32 $1.000000000e+00, v26;
	vm8 =	veq.s32 v27, $0x0  }
0xa2: {  	v34 =	vpop (erf);
	v36 =	vand.u32 $0x7FFFFFFF, v16;
	v48 =	vsel vm8, v46, v3;
	v57 =	vsel vm8, $0x3E800000, v0  }
0xa3: {  	v29 =	vadd.f32 $3.333333430e-01, v44;
	v59 =	vadd.f32 $3.333333430e-01, v45;
	v14 =	vmul.f32 v34, v14  }
0xa4: {  	v23 =	vmul.f32 v26, v23;
	v49 =	vsub.f32 $0.0e+00, v36;
	v3 =	vmax.f32 v48, $0.0e+00  }
0xa5: {  	v37 =	vld [tilespmem:s13+$0x2010];
	v50 =	vand.u32 $0x7FFFFFFF, v43;
	v53 =	vand.u32 $0x7FFFFFFF, v47;
	v60 =	vadd.f32 $3.333333430e-01, v33  }
0xa6: {  	v38 =	vld [tilespmem:s13+$0x2020];
	v54 =	vand.u32 $0x7FFFFFFF, v35;
	v61 =	vsub.f32 $0.0e+00, v43;
	v26 =	vsub.f32 $0.0e+00, v50  }
0xa7: {  	v63 =	vsub.f32 $0.0e+00, v47;
	v55 =	vsub.f32 $0.0e+00, v53;
	v51 =	vmul.f32 $1.442695020e+00, v49  }
0xa8: {  	v14 =	vsel vm9, v34, v14;
	v34 =	vsub.f32 $0.0e+00, v54;
	v26 =	vmul.f32 $1.442695020e+00, v26  }
0xa9: {  	v3 =	vadd.f32 v23, v3;
	v23 =	vmul.f32 $1.442695020e+00, v55;
	(erf) = vpow2.f32 v51  }
0xaa: {  	v33 =	vsub.f32 $0.0e+00, v35;
	v58 =	vmul.f32 $1.442695020e+00, v34;
	(erf) = vpow2.f32 v26  }
0xab: {  	vm10 =	veq.s32 v37, $0x0;
	vm11 =	veq.s32 v38, $0x0;
	(erf) = vpow2.f32 v23  }
0xac: {  	vm7 =	vge.f32 v43, $0.0e+00;
	vm6 =	vge.f32 v47, $0.0e+00;
	(erf) = vpow2.f32 v58  }
0xad: {  	v56 =	vld [tilespmem:s13+$0x2000];
	vm12 =	vge.f32 v35, $0.0e+00;
	v62 =	vmul.f32 v29, v22;
	v50 =	vsub.f32 $1.000000000e+00, v24  }
0xae: {  	vm3 =	vmmov vm10;
	vm2 =	vmmov vm11;
	v39 =	vsel vm10, v63, v47  }
0xaf: {  	v41 =	vsel vm11, v33, v35;
	v49 =	vsub.f32 $1.000000000e+00, v15;
	v22 =	vadd.f32 $1.000000000e+00, v62  }
0xb0: {  	v52 =	vsub.f32 $1.000000000e+00, v14;
	v53 =	vsel vm5, v50, v24;
	v36 =	vmul.f32 v3, v57  }
0xb1: {  	v34 =	vmul.f32 v59, v21;
	v51 =	vsub.f32 $1.000000000e+00, v25;
	v15 =	vsel vm0, v49, v15  }
0xb2: {  	v3 =	vsel vm8, v52, v14;
	vm8 =	veq.s32 v56, $0x0;
	v18 =	vmul.f32 v22, v18;
	v26 =	vpop (erf)  }
0xb3: {  	v14 =	vmul.f32 v36, v3;
	v36 =	vmul.f32 v60, v20;
	v40 =	vadd.f32 $2.000000000e+00, v26;
	v22 =	vpop (erf)  }
0xb4: {  	v21 =	vadd.f32 $1.000000000e+00, v34;
	v23 =	vsel vm8, v61, v43;
	v42 =	vadd.f32 $2.000000000e+00, v22;
	v43 =	vpop (erf)  }
0xb5: {  	v27 =	vsel vm8, $0x3E800000, v0;
	(erf) = vrcp.f32 v40;
	v44 =	vadd.f32 $2.000000000e+00, v43;
	v30 =	vpop (erf)  }
0xb6: {  	v20 =	vadd.f32 $1.000000000e+00, v36;
	v46 =	vadd.f32 $2.000000000e+00, v30;
	(erf) = vrcp.f32 v42  }
0xb7: {  	v54 =	vsel vm15, v51, v25;
	v17 =	vmul.f32 v21, v17;
	(erf) = vrcp.f32 v44  }
0xb8: {  	v4 =	vadd.f32 v18, v4;
	v19 =	vmul.f32 v20, v19;
	(erf) = vrcp.f32 v46  }
0xb9: {  	vm13 =	vmmov vm8;
	vm15 =	vge.f32 v16, $0.0e+00;
	v6 =	vadd.f32 v17, v6  }
0xba: {  	v18 =	vsel vm10, $0x3E800000, v0;
	v4 =	vmul.f32 v4, v7;
	v5 =	vadd.f32 v19, v5  }
0xbb: {  	v21 =	vmax.f32 v23, $0.0e+00;
	v6 =	vmul.f32 v6, v10;
	v45 =	vadd.f32 $1.000000000e+00, v22  }
0xbc: {  	v4 =	vmul.f32 v4, v15;
	v5 =	vmul.f32 v5, v11;
	v47 =	vadd.f32 $1.000000000e+00, v43  }
0xbd: {  	v23 =	vmax.f32 v41, $0.0e+00;
	v6 =	vmul.f32 v6, v53;
	(erf) = vrcp.f32 v45  }
0xbe: {  	v5 =	vmul.f32 v5, v54;
	v48 =	vadd.f32 $1.000000000e+00, v30;
	(erf) = vrcp.f32 v47;
	v52 =	vpop (erf)  }
0xbf: {  	v20 =	vmax.f32 v39, $0.0e+00;
	v4 =	vmul.f32 v4, v15;
	v6 =	vmul.f32 v6, v53;
	v56 =	vpop (erf)  }
0xc0: {  	v17 =	vsel vm11, $0x3E800000, v0;
	v5 =	vmul.f32 v5, v54;
	v45 =	vld [tilespmem:s13+$0x2030];
	(erf) = vrcp.f32 v48;
	v57 =	vpop (erf)  }
0xc1: {  	v10 =	vadd.f32 v12, v13;
	v58 =	vmul.f32 v56, v22;
	v60 =	vpop (erf);
	v9 =	vmul.f32 v57, v43  }
0xc2: {  	v37 =	vadd.f32 $1.000000000e+00, v26;
	v7 =	vmul.f32 v52, v26;
	v15 =	vmul.f32 v60, v30  }
0xc3: {  	v4 =	vadd.f32 v4, v8;
	v61 =	vmul.f32 v58, v58;
	v62 =	vmul.f32 v9, v9  }
0xc4: {  	v47 =	vsub.f32 $0.0e+00, v16;
	(erf) = vrcp.f32 v37;
	v63 =	vmul.f32 v15, v15  }
0xc5: {  	vm14 =	veq.s32 v45, $0x0;
	v36 =	vmul.f32 $1.111111120e-01, v61;
	v38 =	vmul.f32 $1.111111120e-01, v62  }
0xc6: {  	v51 =	vsel vm14, v47, v16;
	v55 =	vmul.f32 v7, v7;
	v39 =	vpop (erf);
	v40 =	vmul.f32 $1.111111120e-01, v63  }
0xc7: {  	v52 =	vmax.f32 v51, $0.0e+00;
	v41 =	vpop (erf);
	v25 =	vadd.f32 $1.428571490e-01, v36;
	v42 =	vadd.f32 $1.428571490e-01, v38  }
0xc8: {  	v59 =	vmul.f32 $1.111111120e-01, v55;
	v28 =	vmul.f32 v41, v43;
	v43 =	vadd.f32 $1.428571490e-01, v40  }
0xc9: {  	v7 =	vadd.f32 v7, v7;
	v25 =	vmul.f32 v25, v61;
	v29 =	vmul.f32 v42, v62  }
0xca: {  	v12 =	vadd.f32 v58, v58;
	v13 =	vadd.f32 $1.428571490e-01, v59;
	v31 =	vmul.f32 v43, v63  }
0xcb: {  	v58 =	vsel vm14, $0x3E800000, v0;
	v25 =	vadd.f32 $2.000000030e-01, v25;
	v29 =	vadd.f32 $2.000000030e-01, v29  }
0xcc: {  	v22 =	vmul.f32 v39, v22;
	v13 =	vmul.f32 v13, v55;
	v31 =	vadd.f32 $2.000000030e-01, v31  }
0xcd: {  	v9 =	vadd.f32 v9, v9;
	v25 =	vmul.f32 v25, v61;
	v46 =	vmul.f32 v29, v62  }
0xce: {  	v15 =	vadd.f32 v15, v15;
	v13 =	vadd.f32 $2.000000030e-01, v13;
	v31 =	vmul.f32 v31, v63  }
0xcf: {  	v44 =	vpop (erf);
	v22 =	vsel vm7, v39, v22;
	v25 =	vadd.f32 $3.333333430e-01, v25;
	v19 =	vadd.f32 $3.333333430e-01, v46  }
0xd0: {  	v30 =	vmul.f32 v44, v30;
	v13 =	vmul.f32 v13, v55;
	v31 =	vadd.f32 $3.333333430e-01, v31  }
0xd1: {  	v28 =	vsel vm6, v41, v28;
	v11 =	vmul.f32 v25, v61;
	v8 =	vmul.f32 v19, v62  }
0xd2: {  	v57 =	vsub.f32 $1.000000000e+00, v22;
	v13 =	vadd.f32 $3.333333430e-01, v13;
	v50 =	vmul.f32 v31, v63  }
0xd3: {  	v56 =	vsel vm12, v44, v30;
	v11 =	vadd.f32 $1.000000000e+00, v11;
	v8 =	vadd.f32 $1.000000000e+00, v8  }
0xd4: {  	v59 =	vsub.f32 $1.000000000e+00, v28;
	v13 =	vmul.f32 v13, v55;
	v53 =	vadd.f32 $1.000000000e+00, v50  }
0xd5: {  	v48 =	vpop (erf);
	v60 =	vsub.f32 $1.000000000e+00, v56;
	v11 =	vmul.f32 v11, v12;
	v8 =	vmul.f32 v8, v9  }
0xd6: {  	v49 =	vmul.f32 v48, v26;
	v13 =	vadd.f32 $1.000000000e+00, v13;
	v12 =	vmul.f32 v53, v15  }
0xd7: {  	v16 =	vsel vm13, v57, v22;
	v11 =	vadd.f32 v11, v21;
	v8 =	vadd.f32 v8, v20  }
0xd8: {  	v54 =	vsel vm15, v48, v49;
	v7 =	vmul.f32 v13, v7;
	v12 =	vadd.f32 v12, v23  }
0xd9: {  	v55 =	vsub.f32 $1.000000000e+00, v54;
	v11 =	vmul.f32 v11, v27;
	v8 =	vmul.f32 v8, v18  }
0xda: {  	v61 =	vsel vm3, v59, v28;
	v7 =	vadd.f32 v7, v52;
	v12 =	vmul.f32 v12, v17  }
0xdb: {  	v15 =	vsel vm2, v60, v56;
	v11 =	vmul.f32 v11, v16;
	v8 =	vmul.f32 v8, v61  }
0xdc: {  	v1 =	vadd.f32 v6, v1;
	v7 =	vmul.f32 v7, v58;
	v12 =	vmul.f32 v12, v15  }
0xdd: {  	v9 =	vsel vm14, v55, v54;
	v62 =	vmul.f32 v11, v16;
	v8 =	vmul.f32 v8, v61  }
0xde: {  	v3 =	vmul.f32 v14, v3;
	v5 =	vadd.f32 v5, v10;
	v7 =	vmul.f32 v7, v9  }
0xdf: {  	v4 =	vadd.f32 v62, v4;
	v63 =	vmul.f32 v12, v15;
	v1 =	vadd.f32 v8, v1  }
0xe0: {  	v2 =	vadd.f32 v3, v2  }
0xe1: {  	v3 =	vmul.f32 v7, v9;
	v5 =	vadd.f32 v63, v5;
	v1 =	vadd.f32 v1, v4;
	_ =	sdelay $0x1  }
0xe2: {  	v2 =	vadd.f32 v3, v2;
	v1 =	vadd.f32 v5, v1;
	_ =	sdelay $0x1  }
0xe3: {  	s12 =	sadd.s32 $0x1, s12;
	v1 =	vadd.f32 v2, v1  }
0xe4: {  	p0 =	sne.s32 s12, s6  }
.Ltmp1:
0xe5: {  	[tilespmem:$0x4000] =	vst v1;
	(pc) =	sbr.rel @p0 .LBB2_1-.Ltmp1, $4  }
0xe6: {  	[hbm4b:s5+s2] =	stream.linear.scatter [tilespmem:s10], [sflag:$0x3], $0x80, $0x38;
	[tilespmem:$0x4080] =	vst v63  }
0xe7: {  	_ =	swait.ge [sflag:s11], $0x80  }
0xe8: {  	[sflag:s11] =	ssyncset.done $0x0  }
0xe9: {  	[sflag:s11] =	ssyncadd.s32 $0xFFFFFF80  }
0xea: {  	_ =	sfence.sel $0x180000  }
0xeb: {  	[bflag:$0x0] =	sbarrier.arrive $0xFFFF  }
0xec: {  	p0 =	sne.s32 s1, $0x0;
	_ =	strace $0x90000047  }
0xed: {  	s0 =	sadd.s32 @!p0 $0x100000, s0;
	[bflag:$0x2] =	sbarrier.arrive $0xFFFF  }
0xee: {  	[sflag:s0] =	ssyncadd.tile.s32 @!p0 $0x1;
	_ =	shalt  }
.Lfunc_end2:
_tile_overlayer_lowered:
.L_overlay_start_2:
0xef: {  	(tag) =	ssettag $0x2  }
0xf0: {  	s0 =	rddreg [dreg:$0x0];
	s2 =	stileid.u32  }
0xf1: {  	s1 =	rddreg [dreg:$0x1];
	p0 =	sne.s32 s2, $0x0  }
0xf2: {  	s3 =	rddreg [dreg:$0x2];
	[bflag:$0x3] =	sbarrier.arrive $0xFFFF;
	s2 =	simm.s32 @!p0 $0x1C03  }
0xf3: {  	[timem:s3], [sflag:s2] =	dma.local @!p0 [hbm:s0], s1  }
0xf4: {  	s0 =	simm.s32 @!p0 $0x3  }
0xf5: {  	_ =	swait.ge @!p0 [sflag:s0], s1  }
0xf6: {  	s1 =	ssub.s32 @!p0 $0x0, s1;
	[sflag:s0] =	ssyncset.done @!p0 $0x0  }
0xf7: {  	[sflag:s0] =	ssyncadd.s32 @!p0 s1  }
0xf8: {  	[bflag:$0x3] =	sbarrier.arrive $0xFFFF  }
0xf9: {  	_ =	shalt  }

</sc_bundles>
